<compile_context>
chip_gen: v7x
topology: tpu7x:2x2x1
jax: 0.10.2.dev20260603
libtpu: 0.0.44.dev20260713+nightly
codegen_flags: <defaults>
</compile_context>

<pallas_src>
import functools

import jax
import jax.numpy as jnp
from jax import lax
from jax.experimental import pallas as pl
from jax.experimental.pallas import tpu as pltpu
from jax.experimental.pallas import tpu_sc as plsc

N = 10000
E = 320000
D_IN = 128
D_HID = 128
D_OUT = 64
K = 10
ALPHA = 0.1

NPAD = 10240
TPN = NPAD // 16
FH = 32
DUMMY = N

EPT = 20480
EPAD = 16 * EPT
CH = 1024
CHB = 320
NCHB = EPT // CHB

EPT2 = EPAD // 32
NCH2 = EPT2 // CH

_f32 = jnp.float32
_i32 = jnp.int32


def _mlp_body(x_ref, w1_ref, b1_ref, w2_ref, b2_ref, h_ref):
    hmid = jnp.dot(x_ref[...], w1_ref[...],
                   preferred_element_type=jnp.float32,
                   precision=lax.Precision.HIGHEST)
    hmid = jnp.maximum(hmid + b1_ref[...], 0.0)
    h = jnp.dot(hmid, w2_ref[...],
                preferred_element_type=jnp.float32,
                precision=lax.Precision.HIGHEST)
    h_ref[...] = h + b2_ref[...]


def _mlp(xp, W1, b1, W2, b2):
    return pl.pallas_call(
        _mlp_body,
        out_shape=jax.ShapeDtypeStruct((NPAD, D_OUT), _f32),
    )(xp, W1, b1.reshape(1, D_HID), W2, b2.reshape(1, D_OUT))


def _prep_body(h_ref, degp_ref, p0_ref, a2_ref, sq2_ref):
    deg = degp_ref[0, :] + degp_ref[1, :] + 1.0
    dinv = lax.rsqrt(deg)
    a2_ref[...] = jnp.broadcast_to(
        ((1.0 - ALPHA) * dinv * dinv)[:, None], (NPAD, FH))
    sq2_ref[...] = jnp.broadcast_to((deg * dinv)[:, None], (NPAD, FH))
    p0 = h_ref[...] * dinv[:, None]
    p0_ref[0] = p0[:, :FH]
    p0_ref[1] = p0[:, FH:]


def _prep(h, degp):
    return pl.pallas_call(
        _prep_body,
        out_shape=[
            jax.ShapeDtypeStruct((2, NPAD, FH), _f32),
            jax.ShapeDtypeStruct((NPAD, FH), _f32),
            jax.ShapeDtypeStruct((NPAD, FH), _f32),
        ],
    )(h, degp)


def _deg_kernel(col2):
    mesh = plsc.VectorSubcoreMesh(core_axis_name="c", subcore_axis_name="s")

    @functools.partial(
        pl.kernel,
        out_type=jax.ShapeDtypeStruct((2 * NPAD,), _f32),
        mesh=mesh,
        compiler_params=pltpu.CompilerParams(use_tc_tiling_on_sc=False),
        scratch_types=[
            pltpu.VMEM_SHARED((NPAD,), _f32),
            pltpu.VMEM((CH,), _f32),
            pltpu.VMEM((TPN,), _f32),
            pltpu.VMEM((CH,), _i32),
        ],
    )
    def k(col_hbm, deg_hbm, cnt_sh, ones_v, stage_v, idx_v):
        cid = lax.axis_index("c")
        sid = lax.axis_index("s")
        base = sid * TPN

        @pl.loop(0, CH, step=16)
        def _(i):
            ones_v[pl.ds(i, 16)] = jnp.ones((16,), _f32)

        @pl.loop(0, TPN, step=16)
        def _(i):
            stage_v[pl.ds(i, 16)] = jnp.zeros((16,), _f32)

        pltpu.sync_copy(stage_v, cnt_sh.at[pl.ds(base, TPN)])
        plsc.subcore_barrier()

        @pl.loop(0, NCH2)
        def _(c):
            pltpu.sync_copy(col_hbm.at[cid, sid, c], idx_v)
            pltpu.sync_copy(ones_v, cnt_sh.at[idx_v], add=True)

        plsc.subcore_barrier()
        pltpu.sync_copy(cnt_sh.at[pl.ds(base, TPN)], stage_v)
        pltpu.sync_copy(stage_v, deg_hbm.at[pl.ds(cid * NPAD + base, TPN)])

    return k(col2)


def _prop_kernel(p0s, a2, sq2, row4, col4):
    mesh = plsc.VectorSubcoreMesh(core_axis_name="c", subcore_axis_name="s")

    @functools.partial(
        pl.kernel,
        out_type=jax.ShapeDtypeStruct((2 * NPAD, FH), _f32),
        mesh=mesh,
        compiler_params=pltpu.CompilerParams(use_tc_tiling_on_sc=False),
        scratch_types=[
            pltpu.VMEM_SHARED((NPAD, FH), _f32),
            pltpu.VMEM_SHARED((NPAD, FH), _f32),
            pltpu.VMEM((TPN, FH), _f32),
            pltpu.VMEM((TPN, FH), _f32),
            pltpu.VMEM((TPN, FH), _f32),
            pltpu.VMEM((CHB, FH), _f32),
            pltpu.VMEM((CHB, FH), _f32),
            pltpu.VMEM((CHB,), _i32),
            pltpu.VMEM((CHB,), _i32),
            pltpu.VMEM((CHB,), _i32),
            pltpu.VMEM((CHB,), _i32),
            pltpu.SemaphoreType.DMA,
            pltpu.SemaphoreType.DMA,
            pltpu.SemaphoreType.DMA,
            pltpu.SemaphoreType.DMA,
        ],
    )
    def k(p0_hbm, a2_hbm, sq2_hbm, row_hbm, col_hbm, out_hbm,
          t_sh, p_sh, p_v, p0_v, a2_v, gA, gB, riA, ciA, riB, ciB,
          semA, semB, semIA, semIB):
        cid = lax.axis_index("c")
        sid = lax.axis_index("s")
        base = sid * TPN
        gbase = cid * NPAD + base

        pltpu.sync_copy(p0_hbm.at[pl.ds(gbase, TPN)], p0_v)
        pltpu.sync_copy(a2_hbm.at[pl.ds(base, TPN)], a2_v)

        pltpu.sync_copy(p0_v, p_sh.at[pl.ds(base, TPN)])
        pltpu.sync_copy(p0_v, t_sh.at[pl.ds(base, TPN)])
        plsc.subcore_barrier()

        @pl.loop(0, K)
        def _(step):
            pltpu.sync_copy(row_hbm.at[sid, 0], riA)
            pltpu.sync_copy(col_hbm.at[sid, 0], ciA)
            pltpu.async_copy(p_sh.at[riA], gA, semA)
            pltpu.async_copy(row_hbm.at[sid, 1], riB, semIB)
            pltpu.async_copy(col_hbm.at[sid, 1], ciB, semIB)

            @pl.loop(0, NCHB, step=2)
            def _(c):
                pltpu.make_async_copy(row_hbm.at[sid, c + 1], riB, semIB).wait()
                pltpu.make_async_copy(col_hbm.at[sid, c + 1], ciB, semIB).wait()
                pltpu.async_copy(p_sh.at[riB], gB, semB)
                pltpu.make_async_copy(p_sh.at[riA], gA, semA).wait()
                pltpu.sync_copy(gA, t_sh.at[ciA], add=True)

                @pl.when(c + 2 < NCHB)
                def _():
                    pltpu.async_copy(row_hbm.at[sid, c + 2], riA, semIA)
                    pltpu.async_copy(col_hbm.at[sid, c + 2], ciA, semIA)

                pltpu.make_async_copy(p_sh.at[riB], gB, semB).wait()
                pltpu.sync_copy(gB, t_sh.at[ciB], add=True)

                @pl.when(c + 2 < NCHB)
                def _():
                    pltpu.make_async_copy(row_hbm.at[sid, c + 2], riA,
                                          semIA).wait()
                    pltpu.make_async_copy(col_hbm.at[sid, c + 2], ciA,
                                          semIA).wait()
                    pltpu.async_copy(p_sh.at[riA], gA, semA)
                    pltpu.async_copy(row_hbm.at[sid, c + 3], riB, semIB)
                    pltpu.async_copy(col_hbm.at[sid, c + 3], ciB, semIB)

            plsc.subcore_barrier()

            pltpu.sync_copy(t_sh.at[pl.ds(base, CHB)], gA)
            pltpu.sync_copy(t_sh.at[pl.ds(base + CHB, TPN - CHB)],
                            gB.at[pl.ds(0, TPN - CHB)])

            @pl.loop(0, CHB)
            def _(r):
                p_v[r, pl.ds(0, 16)] = (gA[r, pl.ds(0, 16)]
                                        * a2_v[r, pl.ds(0, 16)]
                                        + p0_v[r, pl.ds(0, 16)] * ALPHA)
                p_v[r, pl.ds(16, 16)] = (gA[r, pl.ds(16, 16)]
                                         * a2_v[r, pl.ds(16, 16)]
                                         + p0_v[r, pl.ds(16, 16)] * ALPHA)

            @pl.loop(CHB, TPN)
            def _(r):
                p_v[r, pl.ds(0, 16)] = (gB[r - CHB, pl.ds(0, 16)]
                                        * a2_v[r, pl.ds(0, 16)]
                                        + p0_v[r, pl.ds(0, 16)] * ALPHA)
                p_v[r, pl.ds(16, 16)] = (gB[r - CHB, pl.ds(16, 16)]
                                         * a2_v[r, pl.ds(16, 16)]
                                         + p0_v[r, pl.ds(16, 16)] * ALPHA)

            pltpu.sync_copy(p_v, p_sh.at[pl.ds(base, TPN)])
            pltpu.sync_copy(p_v, t_sh.at[pl.ds(base, TPN)])
            plsc.subcore_barrier()

        pltpu.sync_copy(sq2_hbm.at[pl.ds(base, CHB)], gA)
        pltpu.sync_copy(sq2_hbm.at[pl.ds(base + CHB, TPN - CHB)],
                        gB.at[pl.ds(0, TPN - CHB)])

        @pl.loop(0, CHB)
        def _(r):
            p_v[r, pl.ds(0, 16)] = p_v[r, pl.ds(0, 16)] * gA[r, pl.ds(0, 16)]
            p_v[r, pl.ds(16, 16)] = (p_v[r, pl.ds(16, 16)]
                                     * gA[r, pl.ds(16, 16)])

        @pl.loop(CHB, TPN)
        def _(r):
            p_v[r, pl.ds(0, 16)] = (p_v[r, pl.ds(0, 16)]
                                    * gB[r - CHB, pl.ds(0, 16)])
            p_v[r, pl.ds(16, 16)] = (p_v[r, pl.ds(16, 16)]
                                     * gB[r - CHB, pl.ds(16, 16)])

        pltpu.sync_copy(p_v, out_hbm.at[pl.ds(gbase, TPN)])

    return k(p0s, a2, sq2, row4, col4)


def kernel(x, edge_index, W1, b1, W2, b2):
    row = edge_index[0].astype(_i32)
    col = edge_index[1].astype(_i32)
    pad = jnp.full((EPAD - E,), DUMMY, _i32)
    rowp = jnp.concatenate([row, pad])
    colp = jnp.concatenate([col, pad])

    col2 = colp.reshape(2, 16, NCH2, CH)
    col4 = colp.reshape(16, NCHB, CHB)
    row4 = rowp.reshape(16, NCHB, CHB)

    xp = jnp.pad(x, ((0, NPAD - N), (0, 0)))

    h = _mlp(xp, W1, b1, W2, b2)
    degp = _deg_kernel(col2)
    p0s, a2, sq2 = _prep(h, degp.reshape(2, NPAD))
    out2 = _prop_kernel(
        p0s.reshape(2 * NPAD, FH), a2, sq2, row4, col4)

    out2 = out2.reshape(2, NPAD, FH)
    return jnp.concatenate([out2[0, :N, :], out2[1, :N, :]], axis=1)

# --- scband reference (transcript-rebuilt; emitter-appended) ---
"""Pipeline reference for scband-appnp-30562987278368 (READ-ONLY COPY).

The authoritative reference and input builder live on the scoring server;
editing this copy changes nothing except your own understanding.
"""

import jax, jax.numpy as jnp
import numpy as np

N = 10000
E = 320000
D_IN = 128
D_HID = 128
D_OUT = 64
K = 10
ALPHA = 0.1


def setup_inputs(seed: int = 0) -> dict:
    key = jax.random.key(seed)
    ks = jax.random.split(key, 6)
    x = jax.random.normal(ks[0], (N, D_IN), dtype=jnp.float32)
    edge_index = jax.random.randint(ks[1], (2, E), 0, N).astype(jnp.int64)
    W1 = jax.random.normal(ks[2], (D_IN, D_HID), dtype=jnp.float32) * (1.0 / np.sqrt(D_IN))
    b1 = jnp.zeros((D_HID,), dtype=jnp.float32)
    W2 = jax.random.normal(ks[3], (D_HID, D_OUT), dtype=jnp.float32) * (1.0 / np.sqrt(D_HID))
    b2 = jnp.zeros((D_OUT,), dtype=jnp.float32)
    return {"x": x, "edge_index": edge_index, "W1": W1, "b1": b1, "W2": W2, "b2": b2}


def reference(x, edge_index, W1, b1, W2, b2):
    # MLP (dropout is identity in eval mode)
    h = jnp.maximum(x @ W1 + b1, 0.0)
    h = h @ W2 + b2

    # APPNP propagation with GCN normalization + self loops
    row = edge_index[0]
    col = edge_index[1]
    loop = jnp.arange(N, dtype=edge_index.dtype)
    row = jnp.concatenate([row, loop])
    col = jnp.concatenate([col, loop])
    deg = jnp.zeros((N,), dtype=h.dtype).at[col].add(1.0)
    dinv = jnp.where(deg > 0, jax.lax.rsqrt(jnp.maximum(deg, 1e-12)), 0.0)
    norm = dinv[row] * dinv[col]

    x0 = h
    out = h
    for _ in range(K):
        msg = out[row] * norm[:, None]          # gather from source nodes
        agg = jnp.zeros_like(out).at[col].add(msg)  # scatter-add to target nodes
        out = (1.0 - ALPHA) * agg + ALPHA * x0
    return out

if __name__ == "__main__":
    import jax
    _d = setup_inputs()
    print(jax.jit(kernel)(*tuple(_d.values())))

</pallas_src>

<mosaic_0001>
#map = affine_map<(d0, d1) -> (0, 0, 0, 0)>
#map1 = affine_map<(d0, d1) -> (0)>
module attributes {stable_mosaic.version = 14 : i64} {
  func.func @k(%arg0: i32, %arg1: i32, %arg2: memref<2x16x10x1024xi32, #tpu.memory_space<hbm>>, %arg3: memref<20480xf32, #tpu.memory_space<hbm>>, %arg4: memref<10240xf32, #tpu.memory_space<vmem_shared>>, %arg5: memref<1024xf32, #tpu.memory_space<vmem>>, %arg6: memref<640xf32, #tpu.memory_space<vmem>>, %arg7: memref<1024xi32, #tpu.memory_space<vmem>>) attributes {dimension_semantics = [#tpu.dimension_semantics<core_parallel>, #tpu.dimension_semantics<subcore_parallel>], iteration_bounds = array<i64: 2, 16>, scalar_prefetch = 0 : i64, scratch_operands = 4 : i64, tpu.core_type = #tpu.core_type<sc_vector_subcore>, window_params = [{transform_indices = #map}, {transform_indices = #map1}]} {
    %mul3A = arith.constant 640 : i32
    %mul3A_0 = arith.muli %arg1, %mul3A : i32
    %scan3A = arith.constant 0 : i32
    %scan3A_1 = arith.constant 64 : i32
    %scan3A_2 = arith.addi %scan3A, %scan3A_1 : i32
    %scan3A_3 = arith.constant 1 : i32
    scf.for %scan3A_18 = %scan3A to %scan3A_2 step %scan3A_3  : i32 {
      %mul3A_19 = arith.constant 16 : i32
      %mul3A_20 = arith.muli %scan3A_18, %mul3A_19 : i32
      %add3A_21 = arith.constant 0 : i32
      %add3A_22 = arith.addi %add3A_21, %mul3A_20 : i32
      %broadcast_in_dim3A = arith.constant 1.000000e+00 : f32
      %broadcast_in_dim3A_23 = vector.broadcast %broadcast_in_dim3A : f32 to vector<16xf32>
      %swap3A = arith.index_cast %add3A_22 : i32 to index
      %swap3A_24 = tpu.vector_load %arg5[%swap3A] {strides = array<i32>} : memref<1024xf32, #tpu.memory_space<vmem>>, vector<16xf32>,
      %swap3A_25 = vector.shape_cast %swap3A_24 : vector<16xf32> to vector<16xf32>
      %swap3A_26 = vector.shape_cast %broadcast_in_dim3A_23 : vector<16xf32> to vector<16xf32>
      tpu.vector_store %arg5[%swap3A], %swap3A_26 {strides = array<i32>} : memref<1024xf32, #tpu.memory_space<vmem>>, vector<16xf32>,
    }
    %scan3A_4 = arith.constant 64 : i32
    %scan3A_5 = arith.constant 0 : i32
    %scan3A_6 = arith.constant 40 : i32
    %scan3A_7 = arith.addi %scan3A_5, %scan3A_6 : i32
    %scan3A_8 = arith.constant 1 : i32
    scf.for %scan3A_18 = %scan3A_5 to %scan3A_7 step %scan3A_8  : i32 {
      %mul3A_19 = arith.constant 16 : i32
      %mul3A_20 = arith.muli %scan3A_18, %mul3A_19 : i32
      %add3A_21 = arith.constant 0 : i32
      %add3A_22 = arith.addi %add3A_21, %mul3A_20 : i32
      %broadcast_in_dim3A = arith.constant 0.000000e+00 : f32
      %broadcast_in_dim3A_23 = vector.broadcast %broadcast_in_dim3A : f32 to vector<16xf32>
      %swap3A = arith.index_cast %add3A_22 : i32 to index
      %swap3A_24 = tpu.vector_load %arg6[%swap3A] {strides = array<i32>} : memref<640xf32, #tpu.memory_space<vmem>>, vector<16xf32>,
      %swap3A_25 = vector.shape_cast %swap3A_24 : vector<16xf32> to vector<16xf32>
      %swap3A_26 = vector.shape_cast %broadcast_in_dim3A_23 : vector<16xf32> to vector<16xf32>
      tpu.vector_store %arg6[%swap3A], %swap3A_26 {strides = array<i32>} : memref<640xf32, #tpu.memory_space<vmem>>, vector<16xf32>,
    }
    %scan3A_9 = arith.constant 40 : i32
    "tpu.region"() ({
      %run_scoped3A = tpu.sem_alloc : memref<!tpu.dma_semaphore, #tpu.memory_space<semaphore_mem>>
      %dma_start3A = tpu.memref_slice %arg4[%mul3A_0] : memref<10240xf32, #tpu.memory_space<vmem_shared>> -> memref<640xf32, #tpu.memory_space<vmem_shared>>
      %dma_start3A_18 = tpu.memref_slice %arg4[%mul3A_0] : memref<10240xf32, #tpu.memory_space<vmem_shared>> -> memref<640xf32, #tpu.memory_space<vmem_shared>>
      tpu.enqueue_dma source(%arg6 : memref<640xf32, #tpu.memory_space<vmem>>) target(%dma_start3A_18 : memref<640xf32, #tpu.memory_space<vmem_shared>>) target_semaphore(%run_scoped3A : memref<!tpu.dma_semaphore, #tpu.memory_space<semaphore_mem>>)
      %dma_wait3A = tpu.memref_slice %arg4[%mul3A_0] : memref<10240xf32, #tpu.memory_space<vmem_shared>> -> memref<640xf32, #tpu.memory_space<vmem_shared>>
      %dma_wait3A_19 = tpu.memref_slice %arg4[%mul3A_0] : memref<10240xf32, #tpu.memory_space<vmem_shared>> -> memref<640xf32, #tpu.memory_space<vmem_shared>>
      tpu.wait_dma2 semaphore(%run_scoped3A : memref<!tpu.dma_semaphore, #tpu.memory_space<semaphore_mem>>) src(%arg6 : memref<640xf32, #tpu.memory_space<vmem>>) dst(%dma_wait3A_19 : memref<640xf32, #tpu.memory_space<vmem_shared>>)
      tpu.yield
    }) : () -> ()
    %barrier3A = arith.constant 0 : index
    tpu.barrier barrier_id(%barrier3A)
    %scan3A_10 = arith.constant 0 : i32
    %scan3A_11 = arith.constant 10 : i32
    %scan3A_12 = arith.addi %scan3A_10, %scan3A_11 : i32
    %scan3A_13 = arith.constant 1 : i32
    scf.for %scan3A_18 = %scan3A_10 to %scan3A_12 step %scan3A_13  : i32 {
      %mul3A_19 = arith.constant 1 : i32
      %mul3A_20 = arith.muli %scan3A_18, %mul3A_19 : i32
      %add3A_21 = arith.constant 0 : i32
      %add3A_22 = arith.addi %add3A_21, %mul3A_20 : i32
      "tpu.region"() ({
        %run_scoped3A = tpu.sem_alloc : memref<!tpu.dma_semaphore, #tpu.memory_space<semaphore_mem>>
        %dma_start3A = arith.constant 0 : i32
        %dma_start3A_23 = tpu.memref_slice %arg2[%arg0, %arg1, %add3A_22, %dma_start3A] : memref<2x16x10x1024xi32, #tpu.memory_space<hbm>> -> memref<1x1x1x1024xi32, #tpu.memory_space<hbm>>
        %dma_start3A_24 = tpu.memref_squeeze %dma_start3A_23 : memref<1x1x1x1024xi32, #tpu.memory_space<hbm>> -> memref<1024xi32, #tpu.memory_space<hbm>>
        %dma_start3A_25 = arith.constant 0 : i32
        %dma_start3A_26 = tpu.memref_slice %arg2[%arg0, %arg1, %add3A_22, %dma_start3A_25] : memref<2x16x10x1024xi32, #tpu.memory_space<hbm>> -> memref<1x1x1x1024xi32, #tpu.memory_space<hbm>>
        %dma_start3A_27 = tpu.memref_squeeze %dma_start3A_26 : memref<1x1x1x1024xi32, #tpu.memory_space<hbm>> -> memref<1024xi32, #tpu.memory_space<hbm>>
        tpu.enqueue_dma source(%dma_start3A_27 : memref<1024xi32, #tpu.memory_space<hbm>>) target(%arg7 : memref<1024xi32, #tpu.memory_space<vmem>>) target_semaphore(%run_scoped3A : memref<!tpu.dma_semaphore, #tpu.memory_space<semaphore_mem>>)
        %dma_wait3A = arith.constant 0 : i32
        %dma_wait3A_28 = tpu.memref_slice %arg2[%arg0, %arg1, %add3A_22, %dma_wait3A] : memref<2x16x10x1024xi32, #tpu.memory_space<hbm>> -> memref<1x1x1x1024xi32, #tpu.memory_space<hbm>>
        %dma_wait3A_29 = tpu.memref_squeeze %dma_wait3A_28 : memref<1x1x1x1024xi32, #tpu.memory_space<hbm>> -> memref<1024xi32, #tpu.memory_space<hbm>>
        %dma_wait3A_30 = arith.constant 0 : i32
        %dma_wait3A_31 = tpu.memref_slice %arg2[%arg0, %arg1, %add3A_22, %dma_wait3A_30] : memref<2x16x10x1024xi32, #tpu.memory_space<hbm>> -> memref<1x1x1x1024xi32, #tpu.memory_space<hbm>>
        %dma_wait3A_32 = tpu.memref_squeeze %dma_wait3A_31 : memref<1x1x1x1024xi32, #tpu.memory_space<hbm>> -> memref<1024xi32, #tpu.memory_space<hbm>>
        tpu.wait_dma2 semaphore(%run_scoped3A : memref<!tpu.dma_semaphore, #tpu.memory_space<semaphore_mem>>) src(%dma_wait3A_32 : memref<1024xi32, #tpu.memory_space<hbm>>) dst(%arg7 : memref<1024xi32, #tpu.memory_space<vmem>>)
        tpu.yield
      }) : () -> ()
      "tpu.region"() ({
        %run_scoped3A = tpu.sem_alloc : memref<!tpu.dma_semaphore, #tpu.memory_space<semaphore_mem>>
        %dma_start3A = arith.constant 0 : i32
        %dma_start3A_23 = tpu.memref_slice %arg4[%dma_start3A] : memref<10240xf32, #tpu.memory_space<vmem_shared>> -> memref<10240xf32, #tpu.memory_space<vmem_shared>>
        tpu.enqueue_indirect_dma source(%arg5 : memref<1024xf32, #tpu.memory_space<vmem>>) target(%dma_start3A_23 : memref<10240xf32, #tpu.memory_space<vmem_shared>>) offsets(%arg7 : memref<1024xi32, #tpu.memory_space<vmem>>) semaphore(%run_scoped3A : memref<!tpu.dma_semaphore, #tpu.memory_space<semaphore_mem>>) {add = true}
        %dma_wait3A = arith.constant 0 : i32
        %dma_wait3A_24 = tpu.memref_slice %arg4[%dma_wait3A] : memref<10240xf32, #tpu.memory_space<vmem_shared>> -> memref<10240xf32, #tpu.memory_space<vmem_shared>>
        tpu.wait_indirect_dma semaphore(%run_scoped3A : memref<!tpu.dma_semaphore, #tpu.memory_space<semaphore_mem>>) src(%arg5 : memref<1024xf32, #tpu.memory_space<vmem>>) dst(%dma_wait3A_24 : memref<10240xf32, #tpu.memory_space<vmem_shared>>)
        tpu.yield
      }) : () -> ()
    }
    %scan3A_14 = arith.constant 10 : i32
    %barrier3A_15 = arith.constant 0 : index
    tpu.barrier barrier_id(%barrier3A_15)
    "tpu.region"() ({
      %run_scoped3A = tpu.sem_alloc : memref<!tpu.dma_semaphore, #tpu.memory_space<semaphore_mem>>
      %dma_start3A = tpu.memref_slice %arg4[%mul3A_0] : memref<10240xf32, #tpu.memory_space<vmem_shared>> -> memref<640xf32, #tpu.memory_space<vmem_shared>>
      %dma_start3A_18 = tpu.memref_slice %arg4[%mul3A_0] : memref<10240xf32, #tpu.memory_space<vmem_shared>> -> memref<640xf32, #tpu.memory_space<vmem_shared>>
      tpu.enqueue_dma source(%dma_start3A_18 : memref<640xf32, #tpu.memory_space<vmem_shared>>) target(%arg6 : memref<640xf32, #tpu.memory_space<vmem>>) target_semaphore(%run_scoped3A : memref<!tpu.dma_semaphore, #tpu.memory_space<semaphore_mem>>)
      %dma_wait3A = tpu.memref_slice %arg4[%mul3A_0] : memref<10240xf32, #tpu.memory_space<vmem_shared>> -> memref<640xf32, #tpu.memory_space<vmem_shared>>
      %dma_wait3A_19 = tpu.memref_slice %arg4[%mul3A_0] : memref<10240xf32, #tpu.memory_space<vmem_shared>> -> memref<640xf32, #tpu.memory_space<vmem_shared>>
      tpu.wait_dma2 semaphore(%run_scoped3A : memref<!tpu.dma_semaphore, #tpu.memory_space<semaphore_mem>>) src(%dma_wait3A_19 : memref<640xf32, #tpu.memory_space<vmem_shared>>) dst(%arg6 : memref<640xf32, #tpu.memory_space<vmem>>)
      tpu.yield
    }) : () -> ()
    %mul3A_16 = arith.constant 10240 : i32
    %mul3A_17 = arith.muli %arg0, %mul3A_16 : i32
    %add3A = arith.addi %mul3A_17, %mul3A_0 : i32
    "tpu.region"() ({
      %run_scoped3A = tpu.sem_alloc : memref<!tpu.dma_semaphore, #tpu.memory_space<semaphore_mem>>
      %dma_start3A = tpu.memref_slice %arg3[%add3A] : memref<20480xf32, #tpu.memory_space<hbm>> -> memref<640xf32, #tpu.memory_space<hbm>>
      %dma_start3A_18 = tpu.memref_slice %arg3[%add3A] : memref<20480xf32, #tpu.memory_space<hbm>> -> memref<640xf32, #tpu.memory_space<hbm>>
      tpu.enqueue_dma source(%arg6 : memref<640xf32, #tpu.memory_space<vmem>>) target(%dma_start3A_18 : memref<640xf32, #tpu.memory_space<hbm>>) target_semaphore(%run_scoped3A : memref<!tpu.dma_semaphore, #tpu.memory_space<semaphore_mem>>)
      %dma_wait3A = tpu.memref_slice %arg3[%add3A] : memref<20480xf32, #tpu.memory_space<hbm>> -> memref<640xf32, #tpu.memory_space<hbm>>
      %dma_wait3A_19 = tpu.memref_slice %arg3[%add3A] : memref<20480xf32, #tpu.memory_space<hbm>> -> memref<640xf32, #tpu.memory_space<hbm>>
      tpu.wait_dma2 semaphore(%run_scoped3A : memref<!tpu.dma_semaphore, #tpu.memory_space<semaphore_mem>>) src(%arg6 : memref<640xf32, #tpu.memory_space<vmem>>) dst(%dma_wait3A_19 : memref<640xf32, #tpu.memory_space<hbm>>)
      tpu.yield
    }) : () -> ()
    return
  }
}

#map = affine_map<(d0, d1) -> (0, 0)>
#map1 = affine_map<(d0, d1) -> (0, 0, 0)>
module attributes {stable_mosaic.version = 14 : i64} {
  func.func @k(%arg0: i32, %arg1: i32, %arg2: memref<20480x32xf32, #tpu.memory_space<hbm>>, %arg3: memref<10240x32xf32, #tpu.memory_space<hbm>>, %arg4: memref<10240x32xf32, #tpu.memory_space<hbm>>, %arg5: memref<16x64x320xi32, #tpu.memory_space<hbm>>, %arg6: memref<16x64x320xi32, #tpu.memory_space<hbm>>, %arg7: memref<20480x32xf32, #tpu.memory_space<hbm>>, %arg8: memref<10240x32xf32, #tpu.memory_space<vmem_shared>>, %arg9: memref<10240x32xf32, #tpu.memory_space<vmem_shared>>, %arg10: memref<640x32xf32, #tpu.memory_space<vmem>>, %arg11: memref<640x32xf32, #tpu.memory_space<vmem>>, %arg12: memref<640x32xf32, #tpu.memory_space<vmem>>, %arg13: memref<320x32xf32, #tpu.memory_space<vmem>>, %arg14: memref<320x32xf32, #tpu.memory_space<vmem>>, %arg15: memref<320xi32, #tpu.memory_space<vmem>>, %arg16: memref<320xi32, #tpu.memory_space<vmem>>, %arg17: memref<320xi32, #tpu.memory_space<vmem>>, %arg18: memref<320xi32, #tpu.memory_space<vmem>>, %arg19: memref<!tpu.dma_semaphore, #tpu.memory_space<semaphore_mem>>, %arg20: memref<!tpu.dma_semaphore, #tpu.memory_space<semaphore_mem>>, %arg21: memref<!tpu.dma_semaphore, #tpu.memory_space<semaphore_mem>>, %arg22: memref<!tpu.dma_semaphore, #tpu.memory_space<semaphore_mem>>) attributes {dimension_semantics = [#tpu.dimension_semantics<core_parallel>, #tpu.dimension_semantics<subcore_parallel>], iteration_bounds = array<i64: 2, 16>, scalar_prefetch = 0 : i64, scratch_operands = 15 : i64, tpu.core_type = #tpu.core_type<sc_vector_subcore>, window_params = [{transform_indices = #map}, {transform_indices = #map}, {transform_indices = #map}, {transform_indices = #map1}, {transform_indices = #map1}, {transform_indices = #map}]} {
    %mul3A = arith.constant 640 : i32
    %mul3A_0 = arith.muli %arg1, %mul3A : i32
    %mul3A_1 = arith.constant 10240 : i32
    %mul3A_2 = arith.muli %arg0, %mul3A_1 : i32
    %add3A = arith.addi %mul3A_2, %mul3A_0 : i32
    "tpu.region"() ({
      %run_scoped3A = tpu.sem_alloc : memref<!tpu.dma_semaphore, #tpu.memory_space<semaphore_mem>>
      %dma_start3A = arith.constant 0 : i32
      %dma_start3A_19 = tpu.memref_slice %arg2[%add3A, %dma_start3A] : memref<20480x32xf32, #tpu.memory_space<hbm>> -> memref<640x32xf32, #tpu.memory_space<hbm>>
      %dma_start3A_20 = arith.constant 0 : i32
      %dma_start3A_21 = tpu.memref_slice %arg2[%add3A, %dma_start3A_20] : memref<20480x32xf32, #tpu.memory_space<hbm>> -> memref<640x32xf32, #tpu.memory_space<hbm>>
      tpu.enqueue_dma source(%dma_start3A_21 : memref<640x32xf32, #tpu.memory_space<hbm>>) target(%arg11 : memref<640x32xf32, #tpu.memory_space<vmem>>) target_semaphore(%run_scoped3A : memref<!tpu.dma_semaphore, #tpu.memory_space<semaphore_mem>>)
      %dma_wait3A = arith.constant 0 : i32
      %dma_wait3A_22 = tpu.memref_slice %arg2[%add3A, %dma_wait3A] : memref<20480x32xf32, #tpu.memory_space<hbm>> -> memref<640x32xf32, #tpu.memory_space<hbm>>
      %dma_wait3A_23 = arith.constant 0 : i32
      %dma_wait3A_24 = tpu.memref_slice %arg2[%add3A, %dma_wait3A_23] : memref<20480x32xf32, #tpu.memory_space<hbm>> -> memref<640x32xf32, #tpu.memory_space<hbm>>
      tpu.wait_dma2 semaphore(%run_scoped3A : memref<!tpu.dma_semaphore, #tpu.memory_space<semaphore_mem>>) src(%dma_wait3A_24 : memref<640x32xf32, #tpu.memory_space<hbm>>) dst(%arg11 : memref<640x32xf32, #tpu.memory_space<vmem>>)
      tpu.yield
    }) : () -> ()
    "tpu.region"() ({
      %run_scoped3A = tpu.sem_alloc : memref<!tpu.dma_semaphore, #tpu.memory_space<semaphore_mem>>
      %dma_start3A = arith.constant 0 : i32
      %dma_start3A_19 = tpu.memref_slice %arg3[%mul3A_0, %dma_start3A] : memref<10240x32xf32, #tpu.memory_space<hbm>> -> memref<640x32xf32, #tpu.memory_space<hbm>>
      %dma_start3A_20 = arith.constant 0 : i32
      %dma_start3A_21 = tpu.memref_slice %arg3[%mul3A_0, %dma_start3A_20] : memref<10240x32xf32, #tpu.memory_space<hbm>> -> memref<640x32xf32, #tpu.memory_space<hbm>>
      tpu.enqueue_dma source(%dma_start3A_21 : memref<640x32xf32, #tpu.memory_space<hbm>>) target(%arg12 : memref<640x32xf32, #tpu.memory_space<vmem>>) target_semaphore(%run_scoped3A : memref<!tpu.dma_semaphore, #tpu.memory_space<semaphore_mem>>)
      %dma_wait3A = arith.constant 0 : i32
      %dma_wait3A_22 = tpu.memref_slice %arg3[%mul3A_0, %dma_wait3A] : memref<10240x32xf32, #tpu.memory_space<hbm>> -> memref<640x32xf32, #tpu.memory_space<hbm>>
      %dma_wait3A_23 = arith.constant 0 : i32
      %dma_wait3A_24 = tpu.memref_slice %arg3[%mul3A_0, %dma_wait3A_23] : memref<10240x32xf32, #tpu.memory_space<hbm>> -> memref<640x32xf32, #tpu.memory_space<hbm>>
      tpu.wait_dma2 semaphore(%run_scoped3A : memref<!tpu.dma_semaphore, #tpu.memory_space<semaphore_mem>>) src(%dma_wait3A_24 : memref<640x32xf32, #tpu.memory_space<hbm>>) dst(%arg12 : memref<640x32xf32, #tpu.memory_space<vmem>>)
      tpu.yield
    }) : () -> ()
    "tpu.region"() ({
      %run_scoped3A = tpu.sem_alloc : memref<!tpu.dma_semaphore, #tpu.memory_space<semaphore_mem>>
      %dma_start3A = arith.constant 0 : i32
      %dma_start3A_19 = tpu.memref_slice %arg9[%mul3A_0, %dma_start3A] : memref<10240x32xf32, #tpu.memory_space<vmem_shared>> -> memref<640x32xf32, #tpu.memory_space<vmem_shared>>
      %dma_start3A_20 = arith.constant 0 : i32
      %dma_start3A_21 = tpu.memref_slice %arg9[%mul3A_0, %dma_start3A_20] : memref<10240x32xf32, #tpu.memory_space<vmem_shared>> -> memref<640x32xf32, #tpu.memory_space<vmem_shared>>
      tpu.enqueue_dma source(%arg11 : memref<640x32xf32, #tpu.memory_space<vmem>>) target(%dma_start3A_21 : memref<640x32xf32, #tpu.memory_space<vmem_shared>>) target_semaphore(%run_scoped3A : memref<!tpu.dma_semaphore, #tpu.memory_space<semaphore_mem>>)
      %dma_wait3A = arith.constant 0 : i32
      %dma_wait3A_22 = tpu.memref_slice %arg9[%mul3A_0, %dma_wait3A] : memref<10240x32xf32, #tpu.memory_space<vmem_shared>> -> memref<640x32xf32, #tpu.memory_space<vmem_shared>>
      %dma_wait3A_23 = arith.constant 0 : i32
      %dma_wait3A_24 = tpu.memref_slice %arg9[%mul3A_0, %dma_wait3A_23] : memref<10240x32xf32, #tpu.memory_space<vmem_shared>> -> memref<640x32xf32, #tpu.memory_space<vmem_shared>>
      tpu.wait_dma2 semaphore(%run_scoped3A : memref<!tpu.dma_semaphore, #tpu.memory_space<semaphore_mem>>) src(%arg11 : memref<640x32xf32, #tpu.memory_space<vmem>>) dst(%dma_wait3A_24 : memref<640x32xf32, #tpu.memory_space<vmem_shared>>)
      tpu.yield
    }) : () -> ()
    "tpu.region"() ({
      %run_scoped3A = tpu.sem_alloc : memref<!tpu.dma_semaphore, #tpu.memory_space<semaphore_mem>>
      %dma_start3A = arith.constant 0 : i32
      %dma_start3A_19 = tpu.memref_slice %arg8[%mul3A_0, %dma_start3A] : memref<10240x32xf32, #tpu.memory_space<vmem_shared>> -> memref<640x32xf32, #tpu.memory_space<vmem_shared>>
      %dma_start3A_20 = arith.constant 0 : i32
      %dma_start3A_21 = tpu.memref_slice %arg8[%mul3A_0, %dma_start3A_20] : memref<10240x32xf32, #tpu.memory_space<vmem_shared>> -> memref<640x32xf32, #tpu.memory_space<vmem_shared>>
      tpu.enqueue_dma source(%arg11 : memref<640x32xf32, #tpu.memory_space<vmem>>) target(%dma_start3A_21 : memref<640x32xf32, #tpu.memory_space<vmem_shared>>) target_semaphore(%run_scoped3A : memref<!tpu.dma_semaphore, #tpu.memory_space<semaphore_mem>>)
      %dma_wait3A = arith.constant 0 : i32
      %dma_wait3A_22 = tpu.memref_slice %arg8[%mul3A_0, %dma_wait3A] : memref<10240x32xf32, #tpu.memory_space<vmem_shared>> -> memref<640x32xf32, #tpu.memory_space<vmem_shared>>
      %dma_wait3A_23 = arith.constant 0 : i32
      %dma_wait3A_24 = tpu.memref_slice %arg8[%mul3A_0, %dma_wait3A_23] : memref<10240x32xf32, #tpu.memory_space<vmem_shared>> -> memref<640x32xf32, #tpu.memory_space<vmem_shared>>
      tpu.wait_dma2 semaphore(%run_scoped3A : memref<!tpu.dma_semaphore, #tpu.memory_space<semaphore_mem>>) src(%arg11 : memref<640x32xf32, #tpu.memory_space<vmem>>) dst(%dma_wait3A_24 : memref<640x32xf32, #tpu.memory_space<vmem_shared>>)
      tpu.yield
    }) : () -> ()
    %barrier3A = arith.constant 0 : index
    tpu.barrier barrier_id(%barrier3A)
    %scan3A = arith.constant 0 : i32
    %scan3A_3 = arith.constant 10 : i32
    %scan3A_4 = arith.addi %scan3A, %scan3A_3 : i32
    %scan3A_5 = arith.constant 1 : i32
    scf.for %scan3A_19 = %scan3A to %scan3A_4 step %scan3A_5  : i32 {
      %mul3A_20 = arith.constant 1 : i32
      %mul3A_21 = arith.muli %scan3A_19, %mul3A_20 : i32
      %add3A_22 = arith.constant 0 : i32
      %add3A_23 = arith.addi %add3A_22, %mul3A_21 : i32
      %run_scoped3A = arith.constant 0 : i32
      "tpu.region"() ({
        %run_scoped3A_60 = tpu.sem_alloc : memref<!tpu.dma_semaphore, #tpu.memory_space<semaphore_mem>>
        %dma_start3A_61 = arith.constant 0 : i32
        %dma_start3A_62 = tpu.memref_slice %arg5[%arg1, %run_scoped3A, %dma_start3A_61] : memref<16x64x320xi32, #tpu.memory_space<hbm>> -> memref<1x1x320xi32, #tpu.memory_space<hbm>>
        %dma_start3A_63 = tpu.memref_squeeze %dma_start3A_62 : memref<1x1x320xi32, #tpu.memory_space<hbm>> -> memref<320xi32, #tpu.memory_space<hbm>>
        %dma_start3A_64 = arith.constant 0 : i32
        %dma_start3A_65 = tpu.memref_slice %arg5[%arg1, %run_scoped3A, %dma_start3A_64] : memref<16x64x320xi32, #tpu.memory_space<hbm>> -> memref<1x1x320xi32, #tpu.memory_space<hbm>>
        %dma_start3A_66 = tpu.memref_squeeze %dma_start3A_65 : memref<1x1x320xi32, #tpu.memory_space<hbm>> -> memref<320xi32, #tpu.memory_space<hbm>>
        tpu.enqueue_dma source(%dma_start3A_66 : memref<320xi32, #tpu.memory_space<hbm>>) target(%arg15 : memref<320xi32, #tpu.memory_space<vmem>>) target_semaphore(%run_scoped3A_60 : memref<!tpu.dma_semaphore, #tpu.memory_space<semaphore_mem>>)
        %dma_wait3A = arith.constant 0 : i32
        %dma_wait3A_67 = tpu.memref_slice %arg5[%arg1, %run_scoped3A, %dma_wait3A] : memref<16x64x320xi32, #tpu.memory_space<hbm>> -> memref<1x1x320xi32, #tpu.memory_space<hbm>>
        %dma_wait3A_68 = tpu.memref_squeeze %dma_wait3A_67 : memref<1x1x320xi32, #tpu.memory_space<hbm>> -> memref<320xi32, #tpu.memory_space<hbm>>
        %dma_wait3A_69 = arith.constant 0 : i32
        %dma_wait3A_70 = tpu.memref_slice %arg5[%arg1, %run_scoped3A, %dma_wait3A_69] : memref<16x64x320xi32, #tpu.memory_space<hbm>> -> memref<1x1x320xi32, #tpu.memory_space<hbm>>
        %dma_wait3A_71 = tpu.memref_squeeze %dma_wait3A_70 : memref<1x1x320xi32, #tpu.memory_space<hbm>> -> memref<320xi32, #tpu.memory_space<hbm>>
        tpu.wait_dma2 semaphore(%run_scoped3A_60 : memref<!tpu.dma_semaphore, #tpu.memory_space<semaphore_mem>>) src(%dma_wait3A_71 : memref<320xi32, #tpu.memory_space<hbm>>) dst(%arg15 : memref<320xi32, #tpu.memory_space<vmem>>)
        tpu.yield
      }) : () -> ()
      %run_scoped3A_24 = arith.constant 0 : i32
      "tpu.region"() ({
        %run_scoped3A_60 = tpu.sem_alloc : memref<!tpu.dma_semaphore, #tpu.memory_space<semaphore_mem>>
        %dma_start3A_61 = arith.constant 0 : i32
        %dma_start3A_62 = tpu.memref_slice %arg6[%arg1, %run_scoped3A_24, %dma_start3A_61] : memref<16x64x320xi32, #tpu.memory_space<hbm>> -> memref<1x1x320xi32, #tpu.memory_space<hbm>>
        %dma_start3A_63 = tpu.memref_squeeze %dma_start3A_62 : memref<1x1x320xi32, #tpu.memory_space<hbm>> -> memref<320xi32, #tpu.memory_space<hbm>>
        %dma_start3A_64 = arith.constant 0 : i32
        %dma_start3A_65 = tpu.memref_slice %arg6[%arg1, %run_scoped3A_24, %dma_start3A_64] : memref<16x64x320xi32, #tpu.memory_space<hbm>> -> memref<1x1x320xi32, #tpu.memory_space<hbm>>
        %dma_start3A_66 = tpu.memref_squeeze %dma_start3A_65 : memref<1x1x320xi32, #tpu.memory_space<hbm>> -> memref<320xi32, #tpu.memory_space<hbm>>
        tpu.enqueue_dma source(%dma_start3A_66 : memref<320xi32, #tpu.memory_space<hbm>>) target(%arg16 : memref<320xi32, #tpu.memory_space<vmem>>) target_semaphore(%run_scoped3A_60 : memref<!tpu.dma_semaphore, #tpu.memory_space<semaphore_mem>>)
        %dma_wait3A = arith.constant 0 : i32
        %dma_wait3A_67 = tpu.memref_slice %arg6[%arg1, %run_scoped3A_24, %dma_wait3A] : memref<16x64x320xi32, #tpu.memory_space<hbm>> -> memref<1x1x320xi32, #tpu.memory_space<hbm>>
        %dma_wait3A_68 = tpu.memref_squeeze %dma_wait3A_67 : memref<1x1x320xi32, #tpu.memory_space<hbm>> -> memref<320xi32, #tpu.memory_space<hbm>>
        %dma_wait3A_69 = arith.constant 0 : i32
        %dma_wait3A_70 = tpu.memref_slice %arg6[%arg1, %run_scoped3A_24, %dma_wait3A_69] : memref<16x64x320xi32, #tpu.memory_space<hbm>> -> memref<1x1x320xi32, #tpu.memory_space<hbm>>
        %dma_wait3A_71 = tpu.memref_squeeze %dma_wait3A_70 : memref<1x1x320xi32, #tpu.memory_space<hbm>> -> memref<320xi32, #tpu.memory_space<hbm>>
        tpu.wait_dma2 semaphore(%run_scoped3A_60 : memref<!tpu.dma_semaphore, #tpu.memory_space<semaphore_mem>>) src(%dma_wait3A_71 : memref<320xi32, #tpu.memory_space<hbm>>) dst(%arg16 : memref<320xi32, #tpu.memory_space<vmem>>)
        tpu.yield
      }) : () -> ()
      %dma_start3A = arith.constant 0 : i32
      %dma_start3A_25 = arith.constant 0 : i32
      %dma_start3A_26 = tpu.memref_slice %arg9[%dma_start3A, %dma_start3A_25] : memref<10240x32xf32, #tpu.memory_space<vmem_shared>> -> memref<10240x32xf32, #tpu.memory_space<vmem_shared>>
      tpu.enqueue_indirect_dma source(%dma_start3A_26 : memref<10240x32xf32, #tpu.memory_space<vmem_shared>>) target(%arg13 : memref<320x32xf32, #tpu.memory_space<vmem>>) offsets(%arg15 : memref<320xi32, #tpu.memory_space<vmem>>) semaphore(%arg19 : memref<!tpu.dma_semaphore, #tpu.memory_space<semaphore_mem>>)
      %dma_start3A_27 = arith.constant 1 : i32
      %dma_start3A_28 = arith.constant 0 : i32
      %dma_start3A_29 = tpu.memref_slice %arg5[%arg1, %dma_start3A_27, %dma_start3A_28] : memref<16x64x320xi32, #tpu.memory_space<hbm>> -> memref<1x1x320xi32, #tpu.memory_space<hbm>>
      %dma_start3A_30 = tpu.memref_squeeze %dma_start3A_29 : memref<1x1x320xi32, #tpu.memory_space<hbm>> -> memref<320xi32, #tpu.memory_space<hbm>>
      %dma_start3A_31 = arith.constant 0 : i32
      %dma_start3A_32 = tpu.memref_slice %arg5[%arg1, %dma_start3A_27, %dma_start3A_31] : memref<16x64x320xi32, #tpu.memory_space<hbm>> -> memref<1x1x320xi32, #tpu.memory_space<hbm>>
      %dma_start3A_33 = tpu.memref_squeeze %dma_start3A_32 : memref<1x1x320xi32, #tpu.memory_space<hbm>> -> memref<320xi32, #tpu.memory_space<hbm>>
      tpu.enqueue_dma source(%dma_start3A_33 : memref<320xi32, #tpu.memory_space<hbm>>) target(%arg17 : memref<320xi32, #tpu.memory_space<vmem>>) target_semaphore(%arg22 : memref<!tpu.dma_semaphore, #tpu.memory_space<semaphore_mem>>)
      %dma_start3A_34 = arith.constant 1 : i32
      %dma_start3A_35 = arith.constant 0 : i32
      %dma_start3A_36 = tpu.memref_slice %arg6[%arg1, %dma_start3A_34, %dma_start3A_35] : memref<16x64x320xi32, #tpu.memory_space<hbm>> -> memref<1x1x320xi32, #tpu.memory_space<hbm>>
      %dma_start3A_37 = tpu.memref_squeeze %dma_start3A_36 : memref<1x1x320xi32, #tpu.memory_space<hbm>> -> memref<320xi32, #tpu.memory_space<hbm>>
      %dma_start3A_38 = arith.constant 0 : i32
      %dma_start3A_39 = tpu.memref_slice %arg6[%arg1, %dma_start3A_34, %dma_start3A_38] : memref<16x64x320xi32, #tpu.memory_space<hbm>> -> memref<1x1x320xi32, #tpu.memory_space<hbm>>
      %dma_start3A_40 = tpu.memref_squeeze %dma_start3A_39 : memref<1x1x320xi32, #tpu.memory_space<hbm>> -> memref<320xi32, #tpu.memory_space<hbm>>
      tpu.enqueue_dma source(%dma_start3A_40 : memref<320xi32, #tpu.memory_space<hbm>>) target(%arg18 : memref<320xi32, #tpu.memory_space<vmem>>) target_semaphore(%arg22 : memref<!tpu.dma_semaphore, #tpu.memory_space<semaphore_mem>>)
      %scan3A_41 = arith.constant 0 : i32
      %scan3A_42 = arith.constant 32 : i32
      %scan3A_43 = arith.addi %scan3A_41, %scan3A_42 : i32
      %scan3A_44 = arith.constant 1 : i32
      scf.for %scan3A_60 = %scan3A_41 to %scan3A_43 step %scan3A_44  : i32 {
        %mul3A_61 = arith.constant 2 : i32
        %mul3A_62 = arith.muli %scan3A_60, %mul3A_61 : i32
        %add3A_63 = arith.constant 0 : i32
        %add3A_64 = arith.addi %add3A_63, %mul3A_62 : i32
        %add3A_65 = arith.constant 1 : i32
        %add3A_66 = arith.addi %add3A_64, %add3A_65 : i32
        %dma_wait3A = arith.constant 0 : i32
        %dma_wait3A_67 = tpu.memref_slice %arg5[%arg1, %add3A_66, %dma_wait3A] : memref<16x64x320xi32, #tpu.memory_space<hbm>> -> memref<1x1x320xi32, #tpu.memory_space<hbm>>
        %dma_wait3A_68 = tpu.memref_squeeze %dma_wait3A_67 : memref<1x1x320xi32, #tpu.memory_space<hbm>> -> memref<320xi32, #tpu.memory_space<hbm>>
        %dma_wait3A_69 = arith.constant 0 : i32
        %dma_wait3A_70 = tpu.memref_slice %arg5[%arg1, %add3A_66, %dma_wait3A_69] : memref<16x64x320xi32, #tpu.memory_space<hbm>> -> memref<1x1x320xi32, #tpu.memory_space<hbm>>
        %dma_wait3A_71 = tpu.memref_squeeze %dma_wait3A_70 : memref<1x1x320xi32, #tpu.memory_space<hbm>> -> memref<320xi32, #tpu.memory_space<hbm>>
        tpu.wait_dma2 semaphore(%arg22 : memref<!tpu.dma_semaphore, #tpu.memory_space<semaphore_mem>>) src(%dma_wait3A_71 : memref<320xi32, #tpu.memory_space<hbm>>) dst(%arg17 : memref<320xi32, #tpu.memory_space<vmem>>)
        %add3A_72 = arith.constant 1 : i32
        %add3A_73 = arith.addi %add3A_64, %add3A_72 : i32
        %dma_wait3A_74 = arith.constant 0 : i32
        %dma_wait3A_75 = tpu.memref_slice %arg6[%arg1, %add3A_73, %dma_wait3A_74] : memref<16x64x320xi32, #tpu.memory_space<hbm>> -> memref<1x1x320xi32, #tpu.memory_space<hbm>>
        %dma_wait3A_76 = tpu.memref_squeeze %dma_wait3A_75 : memref<1x1x320xi32, #tpu.memory_space<hbm>> -> memref<320xi32, #tpu.memory_space<hbm>>
        %dma_wait3A_77 = arith.constant 0 : i32
        %dma_wait3A_78 = tpu.memref_slice %arg6[%arg1, %add3A_73, %dma_wait3A_77] : memref<16x64x320xi32, #tpu.memory_space<hbm>> -> memref<1x1x320xi32, #tpu.memory_space<hbm>>
        %dma_wait3A_79 = tpu.memref_squeeze %dma_wait3A_78 : memref<1x1x320xi32, #tpu.memory_space<hbm>> -> memref<320xi32, #tpu.memory_space<hbm>>
        tpu.wait_dma2 semaphore(%arg22 : memref<!tpu.dma_semaphore, #tpu.memory_space<semaphore_mem>>) src(%dma_wait3A_79 : memref<320xi32, #tpu.memory_space<hbm>>) dst(%arg18 : memref<320xi32, #tpu.memory_space<vmem>>)
        %dma_start3A_80 = arith.constant 0 : i32
        %dma_start3A_81 = arith.constant 0 : i32
        %dma_start3A_82 = tpu.memref_slice %arg9[%dma_start3A_80, %dma_start3A_81] : memref<10240x32xf32, #tpu.memory_space<vmem_shared>> -> memref<10240x32xf32, #tpu.memory_space<vmem_shared>>
        tpu.enqueue_indirect_dma source(%dma_start3A_82 : memref<10240x32xf32, #tpu.memory_space<vmem_shared>>) target(%arg14 : memref<320x32xf32, #tpu.memory_space<vmem>>) offsets(%arg17 : memref<320xi32, #tpu.memory_space<vmem>>) semaphore(%arg20 : memref<!tpu.dma_semaphore, #tpu.memory_space<semaphore_mem>>)
        %dma_wait3A_83 = arith.constant 0 : i32
        %dma_wait3A_84 = arith.constant 0 : i32
        %dma_wait3A_85 = tpu.memref_slice %arg9[%dma_wait3A_83, %dma_wait3A_84] : memref<10240x32xf32, #tpu.memory_space<vmem_shared>> -> memref<10240x32xf32, #tpu.memory_space<vmem_shared>>
        tpu.wait_indirect_dma semaphore(%arg19 : memref<!tpu.dma_semaphore, #tpu.memory_space<semaphore_mem>>) src(%dma_wait3A_85 : memref<10240x32xf32, #tpu.memory_space<vmem_shared>>) dst(%arg13 : memref<320x32xf32, #tpu.memory_space<vmem>>)
        "tpu.region"() ({
          %run_scoped3A_100 = tpu.sem_alloc : memref<!tpu.dma_semaphore, #tpu.memory_space<semaphore_mem>>
          %dma_start3A_101 = arith.constant 0 : i32
          %dma_start3A_102 = arith.constant 0 : i32
          %dma_start3A_103 = tpu.memref_slice %arg8[%dma_start3A_101, %dma_start3A_102] : memref<10240x32xf32, #tpu.memory_space<vmem_shared>> -> memref<10240x32xf32, #tpu.memory_space<vmem_shared>>
          tpu.enqueue_indirect_dma source(%arg13 : memref<320x32xf32, #tpu.memory_space<vmem>>) target(%dma_start3A_103 : memref<10240x32xf32, #tpu.memory_space<vmem_shared>>) offsets(%arg16 : memref<320xi32, #tpu.memory_space<vmem>>) semaphore(%run_scoped3A_100 : memref<!tpu.dma_semaphore, #tpu.memory_space<semaphore_mem>>) {add = true}
          %dma_wait3A_104 = arith.constant 0 : i32
          %dma_wait3A_105 = arith.constant 0 : i32
          %dma_wait3A_106 = tpu.memref_slice %arg8[%dma_wait3A_104, %dma_wait3A_105] : memref<10240x32xf32, #tpu.memory_space<vmem_shared>> -> memref<10240x32xf32, #tpu.memory_space<vmem_shared>>
          tpu.wait_indirect_dma semaphore(%run_scoped3A_100 : memref<!tpu.dma_semaphore, #tpu.memory_space<semaphore_mem>>) src(%arg13 : memref<320x32xf32, #tpu.memory_space<vmem>>) dst(%dma_wait3A_106 : memref<10240x32xf32, #tpu.memory_space<vmem_shared>>)
          tpu.yield
        }) : () -> ()
        %add3A_86 = arith.constant 2 : i32
        %add3A_87 = arith.addi %add3A_64, %add3A_86 : i32
        %lt3A = arith.constant 64 : i32
        %lt3A_88 = arith.cmpi slt, %add3A_87, %lt3A : i32
        %convert_element_type3A = arith.extui %lt3A_88 : i1 to i32
        %cond3A = arith.constant 0 : i32
        %cond3A_89 = arith.cmpi ne, %convert_element_type3A, %cond3A : i32
        scf.if %cond3A_89 {
          %add3A_100 = arith.constant 2 : i32
          %add3A_101 = arith.addi %add3A_64, %add3A_100 : i32
          %dma_start3A_102 = arith.constant 0 : i32
          %dma_start3A_103 = tpu.memref_slice %arg5[%arg1, %add3A_101, %dma_start3A_102] : memref<16x64x320xi32, #tpu.memory_space<hbm>> -> memref<1x1x320xi32, #tpu.memory_space<hbm>>
          %dma_start3A_104 = tpu.memref_squeeze %dma_start3A_103 : memref<1x1x320xi32, #tpu.memory_space<hbm>> -> memref<320xi32, #tpu.memory_space<hbm>>
          %dma_start3A_105 = arith.constant 0 : i32
          %dma_start3A_106 = tpu.memref_slice %arg5[%arg1, %add3A_101, %dma_start3A_105] : memref<16x64x320xi32, #tpu.memory_space<hbm>> -> memref<1x1x320xi32, #tpu.memory_space<hbm>>
          %dma_start3A_107 = tpu.memref_squeeze %dma_start3A_106 : memref<1x1x320xi32, #tpu.memory_space<hbm>> -> memref<320xi32, #tpu.memory_space<hbm>>
          tpu.enqueue_dma source(%dma_start3A_107 : memref<320xi32, #tpu.memory_space<hbm>>) target(%arg15 : memref<320xi32, #tpu.memory_space<vmem>>) target_semaphore(%arg21 : memref<!tpu.dma_semaphore, #tpu.memory_space<semaphore_mem>>)
          %add3A_108 = arith.constant 2 : i32
          %add3A_109 = arith.addi %add3A_64, %add3A_108 : i32
          %dma_start3A_110 = arith.constant 0 : i32
          %dma_start3A_111 = tpu.memref_slice %arg6[%arg1, %add3A_109, %dma_start3A_110] : memref<16x64x320xi32, #tpu.memory_space<hbm>> -> memref<1x1x320xi32, #tpu.memory_space<hbm>>
          %dma_start3A_112 = tpu.memref_squeeze %dma_start3A_111 : memref<1x1x320xi32, #tpu.memory_space<hbm>> -> memref<320xi32, #tpu.memory_space<hbm>>
          %dma_start3A_113 = arith.constant 0 : i32
          %dma_start3A_114 = tpu.memref_slice %arg6[%arg1, %add3A_109, %dma_start3A_113] : memref<16x64x320xi32, #tpu.memory_space<hbm>> -> memref<1x1x320xi32, #tpu.memory_space<hbm>>
          %dma_start3A_115 = tpu.memref_squeeze %dma_start3A_114 : memref<1x1x320xi32, #tpu.memory_space<hbm>> -> memref<320xi32, #tpu.memory_space<hbm>>
          tpu.enqueue_dma source(%dma_start3A_115 : memref<320xi32, #tpu.memory_space<hbm>>) target(%arg16 : memref<320xi32, #tpu.memory_space<vmem>>) target_semaphore(%arg21 : memref<!tpu.dma_semaphore, #tpu.memory_space<semaphore_mem>>)
        } else {
        }
        %dma_wait3A_90 = arith.constant 0 : i32
        %dma_wait3A_91 = arith.constant 0 : i32
        %dma_wait3A_92 = tpu.memref_slice %arg9[%dma_wait3A_90, %dma_wait3A_91] : memref<10240x32xf32, #tpu.memory_space<vmem_shared>> -> memref<10240x32xf32, #tpu.memory_space<vmem_shared>>
        tpu.wait_indirect_dma semaphore(%arg20 : memref<!tpu.dma_semaphore, #tpu.memory_space<semaphore_mem>>) src(%dma_wait3A_92 : memref<10240x32xf32, #tpu.memory_space<vmem_shared>>) dst(%arg14 : memref<320x32xf32, #tpu.memory_space<vmem>>)
        "tpu.region"() ({
          %run_scoped3A_100 = tpu.sem_alloc : memref<!tpu.dma_semaphore, #tpu.memory_space<semaphore_mem>>
          %dma_start3A_101 = arith.constant 0 : i32
          %dma_start3A_102 = arith.constant 0 : i32
          %dma_start3A_103 = tpu.memref_slice %arg8[%dma_start3A_101, %dma_start3A_102] : memref<10240x32xf32, #tpu.memory_space<vmem_shared>> -> memref<10240x32xf32, #tpu.memory_space<vmem_shared>>
          tpu.enqueue_indirect_dma source(%arg14 : memref<320x32xf32, #tpu.memory_space<vmem>>) target(%dma_start3A_103 : memref<10240x32xf32, #tpu.memory_space<vmem_shared>>) offsets(%arg18 : memref<320xi32, #tpu.memory_space<vmem>>) semaphore(%run_scoped3A_100 : memref<!tpu.dma_semaphore, #tpu.memory_space<semaphore_mem>>) {add = true}
          %dma_wait3A_104 = arith.constant 0 : i32
          %dma_wait3A_105 = arith.constant 0 : i32
          %dma_wait3A_106 = tpu.memref_slice %arg8[%dma_wait3A_104, %dma_wait3A_105] : memref<10240x32xf32, #tpu.memory_space<vmem_shared>> -> memref<10240x32xf32, #tpu.memory_space<vmem_shared>>
          tpu.wait_indirect_dma semaphore(%run_scoped3A_100 : memref<!tpu.dma_semaphore, #tpu.memory_space<semaphore_mem>>) src(%arg14 : memref<320x32xf32, #tpu.memory_space<vmem>>) dst(%dma_wait3A_106 : memref<10240x32xf32, #tpu.memory_space<vmem_shared>>)
          tpu.yield
        }) : () -> ()
        %add3A_93 = arith.constant 2 : i32
        %add3A_94 = arith.addi %add3A_64, %add3A_93 : i32
        %lt3A_95 = arith.constant 64 : i32
        %lt3A_96 = arith.cmpi slt, %add3A_94, %lt3A_95 : i32
        %convert_element_type3A_97 = arith.extui %lt3A_96 : i1 to i32
        %cond3A_98 = arith.constant 0 : i32
        %cond3A_99 = arith.cmpi ne, %convert_element_type3A_97, %cond3A_98 : i32
        scf.if %cond3A_99 {
          %add3A_100 = arith.constant 2 : i32
          %add3A_101 = arith.addi %add3A_64, %add3A_100 : i32
          %dma_wait3A_102 = arith.constant 0 : i32
          %dma_wait3A_103 = tpu.memref_slice %arg5[%arg1, %add3A_101, %dma_wait3A_102] : memref<16x64x320xi32, #tpu.memory_space<hbm>> -> memref<1x1x320xi32, #tpu.memory_space<hbm>>
          %dma_wait3A_104 = tpu.memref_squeeze %dma_wait3A_103 : memref<1x1x320xi32, #tpu.memory_space<hbm>> -> memref<320xi32, #tpu.memory_space<hbm>>
          %dma_wait3A_105 = arith.constant 0 : i32
          %dma_wait3A_106 = tpu.memref_slice %arg5[%arg1, %add3A_101, %dma_wait3A_105] : memref<16x64x320xi32, #tpu.memory_space<hbm>> -> memref<1x1x320xi32, #tpu.memory_space<hbm>>
          %dma_wait3A_107 = tpu.memref_squeeze %dma_wait3A_106 : memref<1x1x320xi32, #tpu.memory_space<hbm>> -> memref<320xi32, #tpu.memory_space<hbm>>
          tpu.wait_dma2 semaphore(%arg21 : memref<!tpu.dma_semaphore, #tpu.memory_space<semaphore_mem>>) src(%dma_wait3A_107 : memref<320xi32, #tpu.memory_space<hbm>>) dst(%arg15 : memref<320xi32, #tpu.memory_space<vmem>>)
          %add3A_108 = arith.constant 2 : i32
          %add3A_109 = arith.addi %add3A_64, %add3A_108 : i32
          %dma_wait3A_110 = arith.constant 0 : i32
          %dma_wait3A_111 = tpu.memref_slice %arg6[%arg1, %add3A_109, %dma_wait3A_110] : memref<16x64x320xi32, #tpu.memory_space<hbm>> -> memref<1x1x320xi32, #tpu.memory_space<hbm>>
          %dma_wait3A_112 = tpu.memref_squeeze %dma_wait3A_111 : memref<1x1x320xi32, #tpu.memory_space<hbm>> -> memref<320xi32, #tpu.memory_space<hbm>>
          %dma_wait3A_113 = arith.constant 0 : i32
          %dma_wait3A_114 = tpu.memref_slice %arg6[%arg1, %add3A_109, %dma_wait3A_113] : memref<16x64x320xi32, #tpu.memory_space<hbm>> -> memref<1x1x320xi32, #tpu.memory_space<hbm>>
          %dma_wait3A_115 = tpu.memref_squeeze %dma_wait3A_114 : memref<1x1x320xi32, #tpu.memory_space<hbm>> -> memref<320xi32, #tpu.memory_space<hbm>>
          tpu.wait_dma2 semaphore(%arg21 : memref<!tpu.dma_semaphore, #tpu.memory_space<semaphore_mem>>) src(%dma_wait3A_115 : memref<320xi32, #tpu.memory_space<hbm>>) dst(%arg16 : memref<320xi32, #tpu.memory_space<vmem>>)
          %dma_start3A_116 = arith.constant 0 : i32
          %dma_start3A_117 = arith.constant 0 : i32
          %dma_start3A_118 = tpu.memref_slice %arg9[%dma_start3A_116, %dma_start3A_117] : memref<10240x32xf32, #tpu.memory_space<vmem_shared>> -> memref<10240x32xf32, #tpu.memory_space<vmem_shared>>
          tpu.enqueue_indirect_dma source(%dma_start3A_118 : memref<10240x32xf32, #tpu.memory_space<vmem_shared>>) target(%arg13 : memref<320x32xf32, #tpu.memory_space<vmem>>) offsets(%arg15 : memref<320xi32, #tpu.memory_space<vmem>>) semaphore(%arg19 : memref<!tpu.dma_semaphore, #tpu.memory_space<semaphore_mem>>)
          %add3A_119 = arith.constant 3 : i32
          %add3A_120 = arith.addi %add3A_64, %add3A_119 : i32
          %dma_start3A_121 = arith.constant 0 : i32
          %dma_start3A_122 = tpu.memref_slice %arg5[%arg1, %add3A_120, %dma_start3A_121] : memref<16x64x320xi32, #tpu.memory_space<hbm>> -> memref<1x1x320xi32, #tpu.memory_space<hbm>>
          %dma_start3A_123 = tpu.memref_squeeze %dma_start3A_122 : memref<1x1x320xi32, #tpu.memory_space<hbm>> -> memref<320xi32, #tpu.memory_space<hbm>>
          %dma_start3A_124 = arith.constant 0 : i32
          %dma_start3A_125 = tpu.memref_slice %arg5[%arg1, %add3A_120, %dma_start3A_124] : memref<16x64x320xi32, #tpu.memory_space<hbm>> -> memref<1x1x320xi32, #tpu.memory_space<hbm>>
          %dma_start3A_126 = tpu.memref_squeeze %dma_start3A_125 : memref<1x1x320xi32, #tpu.memory_space<hbm>> -> memref<320xi32, #tpu.memory_space<hbm>>
          tpu.enqueue_dma source(%dma_start3A_126 : memref<320xi32, #tpu.memory_space<hbm>>) target(%arg17 : memref<320xi32, #tpu.memory_space<vmem>>) target_semaphore(%arg22 : memref<!tpu.dma_semaphore, #tpu.memory_space<semaphore_mem>>)
          %add3A_127 = arith.constant 3 : i32
          %add3A_128 = arith.addi %add3A_64, %add3A_127 : i32
          %dma_start3A_129 = arith.constant 0 : i32
          %dma_start3A_130 = tpu.memref_slice %arg6[%arg1, %add3A_128, %dma_start3A_129] : memref<16x64x320xi32, #tpu.memory_space<hbm>> -> memref<1x1x320xi32, #tpu.memory_space<hbm>>
          %dma_start3A_131 = tpu.memref_squeeze %dma_start3A_130 : memref<1x1x320xi32, #tpu.memory_space<hbm>> -> memref<320xi32, #tpu.memory_space<hbm>>
          %dma_start3A_132 = arith.constant 0 : i32
          %dma_start3A_133 = tpu.memref_slice %arg6[%arg1, %add3A_128, %dma_start3A_132] : memref<16x64x320xi32, #tpu.memory_space<hbm>> -> memref<1x1x320xi32, #tpu.memory_space<hbm>>
          %dma_start3A_134 = tpu.memref_squeeze %dma_start3A_133 : memref<1x1x320xi32, #tpu.memory_space<hbm>> -> memref<320xi32, #tpu.memory_space<hbm>>
          tpu.enqueue_dma source(%dma_start3A_134 : memref<320xi32, #tpu.memory_space<hbm>>) target(%arg18 : memref<320xi32, #tpu.memory_space<vmem>>) target_semaphore(%arg22 : memref<!tpu.dma_semaphore, #tpu.memory_space<semaphore_mem>>)
        } else {
        }
      }
      %scan3A_45 = arith.constant 32 : i32
      %barrier3A_46 = arith.constant 0 : index
      tpu.barrier barrier_id(%barrier3A_46)
      "tpu.region"() ({
        %run_scoped3A_60 = tpu.sem_alloc : memref<!tpu.dma_semaphore, #tpu.memory_space<semaphore_mem>>
        %dma_start3A_61 = arith.constant 0 : i32
        %dma_start3A_62 = tpu.memref_slice %arg8[%mul3A_0, %dma_start3A_61] : memref<10240x32xf32, #tpu.memory_space<vmem_shared>> -> memref<320x32xf32, #tpu.memory_space<vmem_shared>>
        %dma_start3A_63 = arith.constant 0 : i32
        %dma_start3A_64 = tpu.memref_slice %arg8[%mul3A_0, %dma_start3A_63] : memref<10240x32xf32, #tpu.memory_space<vmem_shared>> -> memref<320x32xf32, #tpu.memory_space<vmem_shared>>
        tpu.enqueue_dma source(%dma_start3A_64 : memref<320x32xf32, #tpu.memory_space<vmem_shared>>) target(%arg13 : memref<320x32xf32, #tpu.memory_space<vmem>>) target_semaphore(%run_scoped3A_60 : memref<!tpu.dma_semaphore, #tpu.memory_space<semaphore_mem>>)
        %dma_wait3A = arith.constant 0 : i32
        %dma_wait3A_65 = tpu.memref_slice %arg8[%mul3A_0, %dma_wait3A] : memref<10240x32xf32, #tpu.memory_space<vmem_shared>> -> memref<320x32xf32, #tpu.memory_space<vmem_shared>>
        %dma_wait3A_66 = arith.constant 0 : i32
        %dma_wait3A_67 = tpu.memref_slice %arg8[%mul3A_0, %dma_wait3A_66] : memref<10240x32xf32, #tpu.memory_space<vmem_shared>> -> memref<320x32xf32, #tpu.memory_space<vmem_shared>>
        tpu.wait_dma2 semaphore(%run_scoped3A_60 : memref<!tpu.dma_semaphore, #tpu.memory_space<semaphore_mem>>) src(%dma_wait3A_67 : memref<320x32xf32, #tpu.memory_space<vmem_shared>>) dst(%arg13 : memref<320x32xf32, #tpu.memory_space<vmem>>)
        tpu.yield
      }) : () -> ()
      %add3A_47 = arith.constant 320 : i32
      %add3A_48 = arith.addi %mul3A_0, %add3A_47 : i32
      "tpu.region"() ({
        %run_scoped3A_60 = tpu.sem_alloc : memref<!tpu.dma_semaphore, #tpu.memory_space<semaphore_mem>>
        %dma_start3A_61 = arith.constant 0 : i32
        %dma_start3A_62 = arith.constant 0 : i32
        %dma_start3A_63 = tpu.memref_slice %arg14[%dma_start3A_61, %dma_start3A_62] : memref<320x32xf32, #tpu.memory_space<vmem>> -> memref<320x32xf32, #tpu.memory_space<vmem>>
        %dma_start3A_64 = arith.constant 0 : i32
        %dma_start3A_65 = tpu.memref_slice %arg8[%add3A_48, %dma_start3A_64] : memref<10240x32xf32, #tpu.memory_space<vmem_shared>> -> memref<320x32xf32, #tpu.memory_space<vmem_shared>>
        %dma_start3A_66 = arith.constant 0 : i32
        %dma_start3A_67 = arith.constant 0 : i32
        %dma_start3A_68 = tpu.memref_slice %arg14[%dma_start3A_66, %dma_start3A_67] : memref<320x32xf32, #tpu.memory_space<vmem>> -> memref<320x32xf32, #tpu.memory_space<vmem>>
        %dma_start3A_69 = arith.constant 0 : i32
        %dma_start3A_70 = tpu.memref_slice %arg8[%add3A_48, %dma_start3A_69] : memref<10240x32xf32, #tpu.memory_space<vmem_shared>> -> memref<320x32xf32, #tpu.memory_space<vmem_shared>>
        tpu.enqueue_dma source(%dma_start3A_70 : memref<320x32xf32, #tpu.memory_space<vmem_shared>>) target(%dma_start3A_68 : memref<320x32xf32, #tpu.memory_space<vmem>>) target_semaphore(%run_scoped3A_60 : memref<!tpu.dma_semaphore, #tpu.memory_space<semaphore_mem>>)
        %dma_wait3A = arith.constant 0 : i32
        %dma_wait3A_71 = arith.constant 0 : i32
        %dma_wait3A_72 = tpu.memref_slice %arg14[%dma_wait3A, %dma_wait3A_71] : memref<320x32xf32, #tpu.memory_space<vmem>> -> memref<320x32xf32, #tpu.memory_space<vmem>>
        %dma_wait3A_73 = arith.constant 0 : i32
        %dma_wait3A_74 = tpu.memref_slice %arg8[%add3A_48, %dma_wait3A_73] : memref<10240x32xf32, #tpu.memory_space<vmem_shared>> -> memref<320x32xf32, #tpu.memory_space<vmem_shared>>
        %dma_wait3A_75 = arith.constant 0 : i32
        %dma_wait3A_76 = arith.constant 0 : i32
        %dma_wait3A_77 = tpu.memref_slice %arg14[%dma_wait3A_75, %dma_wait3A_76] : memref<320x32xf32, #tpu.memory_space<vmem>> -> memref<320x32xf32, #tpu.memory_space<vmem>>
        %dma_wait3A_78 = arith.constant 0 : i32
        %dma_wait3A_79 = tpu.memref_slice %arg8[%add3A_48, %dma_wait3A_78] : memref<10240x32xf32, #tpu.memory_space<vmem_shared>> -> memref<320x32xf32, #tpu.memory_space<vmem_shared>>
        tpu.wait_dma2 semaphore(%run_scoped3A_60 : memref<!tpu.dma_semaphore, #tpu.memory_space<semaphore_mem>>) src(%dma_wait3A_79 : memref<320x32xf32, #tpu.memory_space<vmem_shared>>) dst(%dma_wait3A_77 : memref<320x32xf32, #tpu.memory_space<vmem>>)
        tpu.yield
      }) : () -> ()
      %scan3A_49 = arith.constant 0 : i32
      %scan3A_50 = arith.constant 320 : i32
      %scan3A_51 = arith.addi %scan3A_49, %scan3A_50 : i32
      %scan3A_52 = arith.constant 1 : i32
      scf.for %scan3A_60 = %scan3A_49 to %scan3A_51 step %scan3A_52  : i32 {
        %mul3A_61 = arith.constant 1 : i32
        %mul3A_62 = arith.muli %scan3A_60, %mul3A_61 : i32
        %add3A_63 = arith.constant 0 : i32
        %add3A_64 = arith.addi %add3A_63, %mul3A_62 : i32
        %get3A = arith.index_cast %add3A_64 : i32 to index
        %get3A_65 = arith.constant 0 : index
        %get3A_66 = tpu.vector_load %arg13[%get3A, %get3A_65] {strides = array<i32>} : memref<320x32xf32, #tpu.memory_space<vmem>>, vector<1x16xf32>,
        %get3A_67 = vector.shape_cast %get3A_66 : vector<1x16xf32> to vector<16xf32>
        %get3A_68 = arith.index_cast %add3A_64 : i32 to index
        %get3A_69 = arith.constant 0 : index
        %get3A_70 = tpu.vector_load %arg12[%get3A_68, %get3A_69] {strides = array<i32>} : memref<640x32xf32, #tpu.memory_space<vmem>>, vector<1x16xf32>,
        %get3A_71 = vector.shape_cast %get3A_70 : vector<1x16xf32> to vector<16xf32>
        %mul3A_72 = arith.mulf %get3A_67, %get3A_71 : vector<16xf32>
        %get3A_73 = arith.index_cast %add3A_64 : i32 to index
        %get3A_74 = arith.constant 0 : index
        %get3A_75 = tpu.vector_load %arg11[%get3A_73, %get3A_74] {strides = array<i32>} : memref<640x32xf32, #tpu.memory_space<vmem>>, vector<1x16xf32>,
        %get3A_76 = vector.shape_cast %get3A_75 : vector<1x16xf32> to vector<16xf32>
        %mul3A_77 = arith.constant 1.000000e-01 : f32
        %mul3A_78 = vector.broadcast %mul3A_77 : f32 to vector<16xf32>
        %mul3A_79 = arith.mulf %get3A_76, %mul3A_78 : vector<16xf32>
        %add3A_80 = arith.addf %mul3A_72, %mul3A_79 : vector<16xf32>
        %swap3A = arith.index_cast %add3A_64 : i32 to index
        %swap3A_81 = arith.constant 0 : index
        %swap3A_82 = tpu.vector_load %arg10[%swap3A, %swap3A_81] {strides = array<i32>} : memref<640x32xf32, #tpu.memory_space<vmem>>, vector<1x16xf32>,
        %swap3A_83 = vector.shape_cast %swap3A_82 : vector<1x16xf32> to vector<16xf32>
        %swap3A_84 = vector.shape_cast %add3A_80 : vector<16xf32> to vector<1x16xf32>
        tpu.vector_store %arg10[%swap3A, %swap3A_81], %swap3A_84 {strides = array<i32>} : memref<640x32xf32, #tpu.memory_space<vmem>>, vector<1x16xf32>,
        %get3A_85 = arith.index_cast %add3A_64 : i32 to index
        %get3A_86 = arith.constant 16 : index
        %get3A_87 = tpu.vector_load %arg13[%get3A_85, %get3A_86] {strides = array<i32>} : memref<320x32xf32, #tpu.memory_space<vmem>>, vector<1x16xf32>,
        %get3A_88 = vector.shape_cast %get3A_87 : vector<1x16xf32> to vector<16xf32>
        %get3A_89 = arith.index_cast %add3A_64 : i32 to index
        %get3A_90 = arith.constant 16 : index
        %get3A_91 = tpu.vector_load %arg12[%get3A_89, %get3A_90] {strides = array<i32>} : memref<640x32xf32, #tpu.memory_space<vmem>>, vector<1x16xf32>,
        %get3A_92 = vector.shape_cast %get3A_91 : vector<1x16xf32> to vector<16xf32>
        %mul3A_93 = arith.mulf %get3A_88, %get3A_92 : vector<16xf32>
        %get3A_94 = arith.index_cast %add3A_64 : i32 to index
        %get3A_95 = arith.constant 16 : index
        %get3A_96 = tpu.vector_load %arg11[%get3A_94, %get3A_95] {strides = array<i32>} : memref<640x32xf32, #tpu.memory_space<vmem>>, vector<1x16xf32>,
        %get3A_97 = vector.shape_cast %get3A_96 : vector<1x16xf32> to vector<16xf32>
        %mul3A_98 = arith.constant 1.000000e-01 : f32
        %mul3A_99 = vector.broadcast %mul3A_98 : f32 to vector<16xf32>
        %mul3A_100 = arith.mulf %get3A_97, %mul3A_99 : vector<16xf32>
        %add3A_101 = arith.addf %mul3A_93, %mul3A_100 : vector<16xf32>
        %swap3A_102 = arith.index_cast %add3A_64 : i32 to index
        %swap3A_103 = arith.constant 16 : index
        %swap3A_104 = tpu.vector_load %arg10[%swap3A_102, %swap3A_103] {strides = array<i32>} : memref<640x32xf32, #tpu.memory_space<vmem>>, vector<1x16xf32>,
        %swap3A_105 = vector.shape_cast %swap3A_104 : vector<1x16xf32> to vector<16xf32>
        %swap3A_106 = vector.shape_cast %add3A_101 : vector<16xf32> to vector<1x16xf32>
        tpu.vector_store %arg10[%swap3A_102, %swap3A_103], %swap3A_106 {strides = array<i32>} : memref<640x32xf32, #tpu.memory_space<vmem>>, vector<1x16xf32>,
      }
      %scan3A_53 = arith.constant 320 : i32
      %scan3A_54 = arith.constant 0 : i32
      %scan3A_55 = arith.constant 320 : i32
      %scan3A_56 = arith.addi %scan3A_54, %scan3A_55 : i32
      %scan3A_57 = arith.constant 1 : i32
      scf.for %scan3A_60 = %scan3A_54 to %scan3A_56 step %scan3A_57  : i32 {
        %mul3A_61 = arith.constant 1 : i32
        %mul3A_62 = arith.muli %scan3A_60, %mul3A_61 : i32
        %add3A_63 = arith.constant 320 : i32
        %add3A_64 = arith.addi %add3A_63, %mul3A_62 : i32
        %sub3A = arith.constant 320 : i32
        %sub3A_65 = arith.subi %add3A_64, %sub3A : i32
        %get3A = arith.index_cast %sub3A_65 : i32 to index
        %get3A_66 = arith.constant 0 : index
        %get3A_67 = tpu.vector_load %arg14[%get3A, %get3A_66] {strides = array<i32>} : memref<320x32xf32, #tpu.memory_space<vmem>>, vector<1x16xf32>,
        %get3A_68 = vector.shape_cast %get3A_67 : vector<1x16xf32> to vector<16xf32>
        %get3A_69 = arith.index_cast %add3A_64 : i32 to index
        %get3A_70 = arith.constant 0 : index
        %get3A_71 = tpu.vector_load %arg12[%get3A_69, %get3A_70] {strides = array<i32>} : memref<640x32xf32, #tpu.memory_space<vmem>>, vector<1x16xf32>,
        %get3A_72 = vector.shape_cast %get3A_71 : vector<1x16xf32> to vector<16xf32>
        %mul3A_73 = arith.mulf %get3A_68, %get3A_72 : vector<16xf32>
        %get3A_74 = arith.index_cast %add3A_64 : i32 to index
        %get3A_75 = arith.constant 0 : index
        %get3A_76 = tpu.vector_load %arg11[%get3A_74, %get3A_75] {strides = array<i32>} : memref<640x32xf32, #tpu.memory_space<vmem>>, vector<1x16xf32>,
        %get3A_77 = vector.shape_cast %get3A_76 : vector<1x16xf32> to vector<16xf32>
        %mul3A_78 = arith.constant 1.000000e-01 : f32
        %mul3A_79 = vector.broadcast %mul3A_78 : f32 to vector<16xf32>
        %mul3A_80 = arith.mulf %get3A_77, %mul3A_79 : vector<16xf32>
        %add3A_81 = arith.addf %mul3A_73, %mul3A_80 : vector<16xf32>
        %swap3A = arith.index_cast %add3A_64 : i32 to index
        %swap3A_82 = arith.constant 0 : index
        %swap3A_83 = tpu.vector_load %arg10[%swap3A, %swap3A_82] {strides = array<i32>} : memref<640x32xf32, #tpu.memory_space<vmem>>, vector<1x16xf32>,
        %swap3A_84 = vector.shape_cast %swap3A_83 : vector<1x16xf32> to vector<16xf32>
        %swap3A_85 = vector.shape_cast %add3A_81 : vector<16xf32> to vector<1x16xf32>
        tpu.vector_store %arg10[%swap3A, %swap3A_82], %swap3A_85 {strides = array<i32>} : memref<640x32xf32, #tpu.memory_space<vmem>>, vector<1x16xf32>,
        %sub3A_86 = arith.constant 320 : i32
        %sub3A_87 = arith.subi %add3A_64, %sub3A_86 : i32
        %get3A_88 = arith.index_cast %sub3A_87 : i32 to index
        %get3A_89 = arith.constant 16 : index
        %get3A_90 = tpu.vector_load %arg14[%get3A_88, %get3A_89] {strides = array<i32>} : memref<320x32xf32, #tpu.memory_space<vmem>>, vector<1x16xf32>,
        %get3A_91 = vector.shape_cast %get3A_90 : vector<1x16xf32> to vector<16xf32>
        %get3A_92 = arith.index_cast %add3A_64 : i32 to index
        %get3A_93 = arith.constant 16 : index
        %get3A_94 = tpu.vector_load %arg12[%get3A_92, %get3A_93] {strides = array<i32>} : memref<640x32xf32, #tpu.memory_space<vmem>>, vector<1x16xf32>,
        %get3A_95 = vector.shape_cast %get3A_94 : vector<1x16xf32> to vector<16xf32>
        %mul3A_96 = arith.mulf %get3A_91, %get3A_95 : vector<16xf32>
        %get3A_97 = arith.index_cast %add3A_64 : i32 to index
        %get3A_98 = arith.constant 16 : index
        %get3A_99 = tpu.vector_load %arg11[%get3A_97, %get3A_98] {strides = array<i32>} : memref<640x32xf32, #tpu.memory_space<vmem>>, vector<1x16xf32>,
        %get3A_100 = vector.shape_cast %get3A_99 : vector<1x16xf32> to vector<16xf32>
        %mul3A_101 = arith.constant 1.000000e-01 : f32
        %mul3A_102 = vector.broadcast %mul3A_101 : f32 to vector<16xf32>
        %mul3A_103 = arith.mulf %get3A_100, %mul3A_102 : vector<16xf32>
        %add3A_104 = arith.addf %mul3A_96, %mul3A_103 : vector<16xf32>
        %swap3A_105 = arith.index_cast %add3A_64 : i32 to index
        %swap3A_106 = arith.constant 16 : index
        %swap3A_107 = tpu.vector_load %arg10[%swap3A_105, %swap3A_106] {strides = array<i32>} : memref<640x32xf32, #tpu.memory_space<vmem>>, vector<1x16xf32>,
        %swap3A_108 = vector.shape_cast %swap3A_107 : vector<1x16xf32> to vector<16xf32>
        %swap3A_109 = vector.shape_cast %add3A_104 : vector<16xf32> to vector<1x16xf32>
        tpu.vector_store %arg10[%swap3A_105, %swap3A_106], %swap3A_109 {strides = array<i32>} : memref<640x32xf32, #tpu.memory_space<vmem>>, vector<1x16xf32>,
      }
      %scan3A_58 = arith.constant 320 : i32
      "tpu.region"() ({
        %run_scoped3A_60 = tpu.sem_alloc : memref<!tpu.dma_semaphore, #tpu.memory_space<semaphore_mem>>
        %dma_start3A_61 = arith.constant 0 : i32
        %dma_start3A_62 = tpu.memref_slice %arg9[%mul3A_0, %dma_start3A_61] : memref<10240x32xf32, #tpu.memory_space<vmem_shared>> -> memref<640x32xf32, #tpu.memory_space<vmem_shared>>
        %dma_start3A_63 = arith.constant 0 : i32
        %dma_start3A_64 = tpu.memref_slice %arg9[%mul3A_0, %dma_start3A_63] : memref<10240x32xf32, #tpu.memory_space<vmem_shared>> -> memref<640x32xf32, #tpu.memory_space<vmem_shared>>
        tpu.enqueue_dma source(%arg10 : memref<640x32xf32, #tpu.memory_space<vmem>>) target(%dma_start3A_64 : memref<640x32xf32, #tpu.memory_space<vmem_shared>>) target_semaphore(%run_scoped3A_60 : memref<!tpu.dma_semaphore, #tpu.memory_space<semaphore_mem>>)
        %dma_wait3A = arith.constant 0 : i32
        %dma_wait3A_65 = tpu.memref_slice %arg9[%mul3A_0, %dma_wait3A] : memref<10240x32xf32, #tpu.memory_space<vmem_shared>> -> memref<640x32xf32, #tpu.memory_space<vmem_shared>>
        %dma_wait3A_66 = arith.constant 0 : i32
        %dma_wait3A_67 = tpu.memref_slice %arg9[%mul3A_0, %dma_wait3A_66] : memref<10240x32xf32, #tpu.memory_space<vmem_shared>> -> memref<640x32xf32, #tpu.memory_space<vmem_shared>>
        tpu.wait_dma2 semaphore(%run_scoped3A_60 : memref<!tpu.dma_semaphore, #tpu.memory_space<semaphore_mem>>) src(%arg10 : memref<640x32xf32, #tpu.memory_space<vmem>>) dst(%dma_wait3A_67 : memref<640x32xf32, #tpu.memory_space<vmem_shared>>)
        tpu.yield
      }) : () -> ()
      "tpu.region"() ({
        %run_scoped3A_60 = tpu.sem_alloc : memref<!tpu.dma_semaphore, #tpu.memory_space<semaphore_mem>>
        %dma_start3A_61 = arith.constant 0 : i32
        %dma_start3A_62 = tpu.memref_slice %arg8[%mul3A_0, %dma_start3A_61] : memref<10240x32xf32, #tpu.memory_space<vmem_shared>> -> memref<640x32xf32, #tpu.memory_space<vmem_shared>>
        %dma_start3A_63 = arith.constant 0 : i32
        %dma_start3A_64 = tpu.memref_slice %arg8[%mul3A_0, %dma_start3A_63] : memref<10240x32xf32, #tpu.memory_space<vmem_shared>> -> memref<640x32xf32, #tpu.memory_space<vmem_shared>>
        tpu.enqueue_dma source(%arg10 : memref<640x32xf32, #tpu.memory_space<vmem>>) target(%dma_start3A_64 : memref<640x32xf32, #tpu.memory_space<vmem_shared>>) target_semaphore(%run_scoped3A_60 : memref<!tpu.dma_semaphore, #tpu.memory_space<semaphore_mem>>)
        %dma_wait3A = arith.constant 0 : i32
        %dma_wait3A_65 = tpu.memref_slice %arg8[%mul3A_0, %dma_wait3A] : memref<10240x32xf32, #tpu.memory_space<vmem_shared>> -> memref<640x32xf32, #tpu.memory_space<vmem_shared>>
        %dma_wait3A_66 = arith.constant 0 : i32
        %dma_wait3A_67 = tpu.memref_slice %arg8[%mul3A_0, %dma_wait3A_66] : memref<10240x32xf32, #tpu.memory_space<vmem_shared>> -> memref<640x32xf32, #tpu.memory_space<vmem_shared>>
        tpu.wait_dma2 semaphore(%run_scoped3A_60 : memref<!tpu.dma_semaphore, #tpu.memory_space<semaphore_mem>>) src(%arg10 : memref<640x32xf32, #tpu.memory_space<vmem>>) dst(%dma_wait3A_67 : memref<640x32xf32, #tpu.memory_space<vmem_shared>>)
        tpu.yield
      }) : () -> ()
      %barrier3A_59 = arith.constant 0 : index
      tpu.barrier barrier_id(%barrier3A_59)
    }
    %scan3A_6 = arith.constant 10 : i32
    "tpu.region"() ({
      %run_scoped3A = tpu.sem_alloc : memref<!tpu.dma_semaphore, #tpu.memory_space<semaphore_mem>>
      %dma_start3A = arith.constant 0 : i32
      %dma_start3A_19 = tpu.memref_slice %arg4[%mul3A_0, %dma_start3A] : memref<10240x32xf32, #tpu.memory_space<hbm>> -> memref<320x32xf32, #tpu.memory_space<hbm>>
      %dma_start3A_20 = arith.constant 0 : i32
      %dma_start3A_21 = tpu.memref_slice %arg4[%mul3A_0, %dma_start3A_20] : memref<10240x32xf32, #tpu.memory_space<hbm>> -> memref<320x32xf32, #tpu.memory_space<hbm>>
      tpu.enqueue_dma source(%dma_start3A_21 : memref<320x32xf32, #tpu.memory_space<hbm>>) target(%arg13 : memref<320x32xf32, #tpu.memory_space<vmem>>) target_semaphore(%run_scoped3A : memref<!tpu.dma_semaphore, #tpu.memory_space<semaphore_mem>>)
      %dma_wait3A = arith.constant 0 : i32
      %dma_wait3A_22 = tpu.memref_slice %arg4[%mul3A_0, %dma_wait3A] : memref<10240x32xf32, #tpu.memory_space<hbm>> -> memref<320x32xf32, #tpu.memory_space<hbm>>
      %dma_wait3A_23 = arith.constant 0 : i32
      %dma_wait3A_24 = tpu.memref_slice %arg4[%mul3A_0, %dma_wait3A_23] : memref<10240x32xf32, #tpu.memory_space<hbm>> -> memref<320x32xf32, #tpu.memory_space<hbm>>
      tpu.wait_dma2 semaphore(%run_scoped3A : memref<!tpu.dma_semaphore, #tpu.memory_space<semaphore_mem>>) src(%dma_wait3A_24 : memref<320x32xf32, #tpu.memory_space<hbm>>) dst(%arg13 : memref<320x32xf32, #tpu.memory_space<vmem>>)
      tpu.yield
    }) : () -> ()
    %add3A_7 = arith.constant 320 : i32
    %add3A_8 = arith.addi %mul3A_0, %add3A_7 : i32
    "tpu.region"() ({
      %run_scoped3A = tpu.sem_alloc : memref<!tpu.dma_semaphore, #tpu.memory_space<semaphore_mem>>
      %dma_start3A = arith.constant 0 : i32
      %dma_start3A_19 = arith.constant 0 : i32
      %dma_start3A_20 = tpu.memref_slice %arg14[%dma_start3A, %dma_start3A_19] : memref<320x32xf32, #tpu.memory_space<vmem>> -> memref<320x32xf32, #tpu.memory_space<vmem>>
      %dma_start3A_21 = arith.constant 0 : i32
      %dma_start3A_22 = tpu.memref_slice %arg4[%add3A_8, %dma_start3A_21] : memref<10240x32xf32, #tpu.memory_space<hbm>> -> memref<320x32xf32, #tpu.memory_space<hbm>>
      %dma_start3A_23 = arith.constant 0 : i32
      %dma_start3A_24 = arith.constant 0 : i32
      %dma_start3A_25 = tpu.memref_slice %arg14[%dma_start3A_23, %dma_start3A_24] : memref<320x32xf32, #tpu.memory_space<vmem>> -> memref<320x32xf32, #tpu.memory_space<vmem>>
      %dma_start3A_26 = arith.constant 0 : i32
      %dma_start3A_27 = tpu.memref_slice %arg4[%add3A_8, %dma_start3A_26] : memref<10240x32xf32, #tpu.memory_space<hbm>> -> memref<320x32xf32, #tpu.memory_space<hbm>>
      tpu.enqueue_dma source(%dma_start3A_27 : memref<320x32xf32, #tpu.memory_space<hbm>>) target(%dma_start3A_25 : memref<320x32xf32, #tpu.memory_space<vmem>>) target_semaphore(%run_scoped3A : memref<!tpu.dma_semaphore, #tpu.memory_space<semaphore_mem>>)
      %dma_wait3A = arith.constant 0 : i32
      %dma_wait3A_28 = arith.constant 0 : i32
      %dma_wait3A_29 = tpu.memref_slice %arg14[%dma_wait3A, %dma_wait3A_28] : memref<320x32xf32, #tpu.memory_space<vmem>> -> memref<320x32xf32, #tpu.memory_space<vmem>>
      %dma_wait3A_30 = arith.constant 0 : i32
      %dma_wait3A_31 = tpu.memref_slice %arg4[%add3A_8, %dma_wait3A_30] : memref<10240x32xf32, #tpu.memory_space<hbm>> -> memref<320x32xf32, #tpu.memory_space<hbm>>
      %dma_wait3A_32 = arith.constant 0 : i32
      %dma_wait3A_33 = arith.constant 0 : i32
      %dma_wait3A_34 = tpu.memref_slice %arg14[%dma_wait3A_32, %dma_wait3A_33] : memref<320x32xf32, #tpu.memory_space<vmem>> -> memref<320x32xf32, #tpu.memory_space<vmem>>
      %dma_wait3A_35 = arith.constant 0 : i32
      %dma_wait3A_36 = tpu.memref_slice %arg4[%add3A_8, %dma_wait3A_35] : memref<10240x32xf32, #tpu.memory_space<hbm>> -> memref<320x32xf32, #tpu.memory_space<hbm>>
      tpu.wait_dma2 semaphore(%run_scoped3A : memref<!tpu.dma_semaphore, #tpu.memory_space<semaphore_mem>>) src(%dma_wait3A_36 : memref<320x32xf32, #tpu.memory_space<hbm>>) dst(%dma_wait3A_34 : memref<320x32xf32, #tpu.memory_space<vmem>>)
      tpu.yield
    }) : () -> ()
    %scan3A_9 = arith.constant 0 : i32
    %scan3A_10 = arith.constant 320 : i32
    %scan3A_11 = arith.addi %scan3A_9, %scan3A_10 : i32
    %scan3A_12 = arith.constant 1 : i32
    scf.for %scan3A_19 = %scan3A_9 to %scan3A_11 step %scan3A_12  : i32 {
      %mul3A_20 = arith.constant 1 : i32
      %mul3A_21 = arith.muli %scan3A_19, %mul3A_20 : i32
      %add3A_22 = arith.constant 0 : i32
      %add3A_23 = arith.addi %add3A_22, %mul3A_21 : i32
      %get3A = arith.index_cast %add3A_23 : i32 to index
      %get3A_24 = arith.constant 0 : index
      %get3A_25 = tpu.vector_load %arg10[%get3A, %get3A_24] {strides = array<i32>} : memref<640x32xf32, #tpu.memory_space<vmem>>, vector<1x16xf32>,
      %get3A_26 = vector.shape_cast %get3A_25 : vector<1x16xf32> to vector<16xf32>
      %get3A_27 = arith.index_cast %add3A_23 : i32 to index
      %get3A_28 = arith.constant 0 : index
      %get3A_29 = tpu.vector_load %arg13[%get3A_27, %get3A_28] {strides = array<i32>} : memref<320x32xf32, #tpu.memory_space<vmem>>, vector<1x16xf32>,
      %get3A_30 = vector.shape_cast %get3A_29 : vector<1x16xf32> to vector<16xf32>
      %mul3A_31 = arith.mulf %get3A_26, %get3A_30 : vector<16xf32>
      %swap3A = arith.index_cast %add3A_23 : i32 to index
      %swap3A_32 = arith.constant 0 : index
      %swap3A_33 = tpu.vector_load %arg10[%swap3A, %swap3A_32] {strides = array<i32>} : memref<640x32xf32, #tpu.memory_space<vmem>>, vector<1x16xf32>,
      %swap3A_34 = vector.shape_cast %swap3A_33 : vector<1x16xf32> to vector<16xf32>
      %swap3A_35 = vector.shape_cast %mul3A_31 : vector<16xf32> to vector<1x16xf32>
      tpu.vector_store %arg10[%swap3A, %swap3A_32], %swap3A_35 {strides = array<i32>} : memref<640x32xf32, #tpu.memory_space<vmem>>, vector<1x16xf32>,
      %get3A_36 = arith.index_cast %add3A_23 : i32 to index
      %get3A_37 = arith.constant 16 : index
      %get3A_38 = tpu.vector_load %arg10[%get3A_36, %get3A_37] {strides = array<i32>} : memref<640x32xf32, #tpu.memory_space<vmem>>, vector<1x16xf32>,
      %get3A_39 = vector.shape_cast %get3A_38 : vector<1x16xf32> to vector<16xf32>
      %get3A_40 = arith.index_cast %add3A_23 : i32 to index
      %get3A_41 = arith.constant 16 : index
      %get3A_42 = tpu.vector_load %arg13[%get3A_40, %get3A_41] {strides = array<i32>} : memref<320x32xf32, #tpu.memory_space<vmem>>, vector<1x16xf32>,
      %get3A_43 = vector.shape_cast %get3A_42 : vector<1x16xf32> to vector<16xf32>
      %mul3A_44 = arith.mulf %get3A_39, %get3A_43 : vector<16xf32>
      %swap3A_45 = arith.index_cast %add3A_23 : i32 to index
      %swap3A_46 = arith.constant 16 : index
      %swap3A_47 = tpu.vector_load %arg10[%swap3A_45, %swap3A_46] {strides = array<i32>} : memref<640x32xf32, #tpu.memory_space<vmem>>, vector<1x16xf32>,
      %swap3A_48 = vector.shape_cast %swap3A_47 : vector<1x16xf32> to vector<16xf32>
      %swap3A_49 = vector.shape_cast %mul3A_44 : vector<16xf32> to vector<1x16xf32>
      tpu.vector_store %arg10[%swap3A_45, %swap3A_46], %swap3A_49 {strides = array<i32>} : memref<640x32xf32, #tpu.memory_space<vmem>>, vector<1x16xf32>,
    }
    %scan3A_13 = arith.constant 320 : i32
    %scan3A_14 = arith.constant 0 : i32
    %scan3A_15 = arith.constant 320 : i32
    %scan3A_16 = arith.addi %scan3A_14, %scan3A_15 : i32
    %scan3A_17 = arith.constant 1 : i32
    scf.for %scan3A_19 = %scan3A_14 to %scan3A_16 step %scan3A_17  : i32 {
      %mul3A_20 = arith.constant 1 : i32
      %mul3A_21 = arith.muli %scan3A_19, %mul3A_20 : i32
      %add3A_22 = arith.constant 320 : i32
      %add3A_23 = arith.addi %add3A_22, %mul3A_21 : i32
      %get3A = arith.index_cast %add3A_23 : i32 to index
      %get3A_24 = arith.constant 0 : index
      %get3A_25 = tpu.vector_load %arg10[%get3A, %get3A_24] {strides = array<i32>} : memref<640x32xf32, #tpu.memory_space<vmem>>, vector<1x16xf32>,
      %get3A_26 = vector.shape_cast %get3A_25 : vector<1x16xf32> to vector<16xf32>
      %sub3A = arith.constant 320 : i32
      %sub3A_27 = arith.subi %add3A_23, %sub3A : i32
      %get3A_28 = arith.index_cast %sub3A_27 : i32 to index
      %get3A_29 = arith.constant 0 : index
      %get3A_30 = tpu.vector_load %arg14[%get3A_28, %get3A_29] {strides = array<i32>} : memref<320x32xf32, #tpu.memory_space<vmem>>, vector<1x16xf32>,
      %get3A_31 = vector.shape_cast %get3A_30 : vector<1x16xf32> to vector<16xf32>
      %mul3A_32 = arith.mulf %get3A_26, %get3A_31 : vector<16xf32>
      %swap3A = arith.index_cast %add3A_23 : i32 to index
      %swap3A_33 = arith.constant 0 : index
      %swap3A_34 = tpu.vector_load %arg10[%swap3A, %swap3A_33] {strides = array<i32>} : memref<640x32xf32, #tpu.memory_space<vmem>>, vector<1x16xf32>,
      %swap3A_35 = vector.shape_cast %swap3A_34 : vector<1x16xf32> to vector<16xf32>
      %swap3A_36 = vector.shape_cast %mul3A_32 : vector<16xf32> to vector<1x16xf32>
      tpu.vector_store %arg10[%swap3A, %swap3A_33], %swap3A_36 {strides = array<i32>} : memref<640x32xf32, #tpu.memory_space<vmem>>, vector<1x16xf32>,
      %get3A_37 = arith.index_cast %add3A_23 : i32 to index
      %get3A_38 = arith.constant 16 : index
      %get3A_39 = tpu.vector_load %arg10[%get3A_37, %get3A_38] {strides = array<i32>} : memref<640x32xf32, #tpu.memory_space<vmem>>, vector<1x16xf32>,
      %get3A_40 = vector.shape_cast %get3A_39 : vector<1x16xf32> to vector<16xf32>
      %sub3A_41 = arith.constant 320 : i32
      %sub3A_42 = arith.subi %add3A_23, %sub3A_41 : i32
      %get3A_43 = arith.index_cast %sub3A_42 : i32 to index
      %get3A_44 = arith.constant 16 : index
      %get3A_45 = tpu.vector_load %arg14[%get3A_43, %get3A_44] {strides = array<i32>} : memref<320x32xf32, #tpu.memory_space<vmem>>, vector<1x16xf32>,
      %get3A_46 = vector.shape_cast %get3A_45 : vector<1x16xf32> to vector<16xf32>
      %mul3A_47 = arith.mulf %get3A_40, %get3A_46 : vector<16xf32>
      %swap3A_48 = arith.index_cast %add3A_23 : i32 to index
      %swap3A_49 = arith.constant 16 : index
      %swap3A_50 = tpu.vector_load %arg10[%swap3A_48, %swap3A_49] {strides = array<i32>} : memref<640x32xf32, #tpu.memory_space<vmem>>, vector<1x16xf32>,
      %swap3A_51 = vector.shape_cast %swap3A_50 : vector<1x16xf32> to vector<16xf32>
      %swap3A_52 = vector.shape_cast %mul3A_47 : vector<16xf32> to vector<1x16xf32>
      tpu.vector_store %arg10[%swap3A_48, %swap3A_49], %swap3A_52 {strides = array<i32>} : memref<640x32xf32, #tpu.memory_space<vmem>>, vector<1x16xf32>,
    }
    %scan3A_18 = arith.constant 320 : i32
    "tpu.region"() ({
      %run_scoped3A = tpu.sem_alloc : memref<!tpu.dma_semaphore, #tpu.memory_space<semaphore_mem>>
      %dma_start3A = arith.constant 0 : i32
      %dma_start3A_19 = tpu.memref_slice %arg7[%add3A, %dma_start3A] : memref<20480x32xf32, #tpu.memory_space<hbm>> -> memref<640x32xf32, #tpu.memory_space<hbm>>
      %dma_start3A_20 = arith.constant 0 : i32
      %dma_start3A_21 = tpu.memref_slice %arg7[%add3A, %dma_start3A_20] : memref<20480x32xf32, #tpu.memory_space<hbm>> -> memref<640x32xf32, #tpu.memory_space<hbm>>
      tpu.enqueue_dma source(%arg10 : memref<640x32xf32, #tpu.memory_space<vmem>>) target(%dma_start3A_21 : memref<640x32xf32, #tpu.memory_space<hbm>>) target_semaphore(%run_scoped3A : memref<!tpu.dma_semaphore, #tpu.memory_space<semaphore_mem>>)
      %dma_wait3A = arith.constant 0 : i32
      %dma_wait3A_22 = tpu.memref_slice %arg7[%add3A, %dma_wait3A] : memref<20480x32xf32, #tpu.memory_space<hbm>> -> memref<640x32xf32, #tpu.memory_space<hbm>>
      %dma_wait3A_23 = arith.constant 0 : i32
      %dma_wait3A_24 = tpu.memref_slice %arg7[%add3A, %dma_wait3A_23] : memref<20480x32xf32, #tpu.memory_space<hbm>> -> memref<640x32xf32, #tpu.memory_space<hbm>>
      tpu.wait_dma2 semaphore(%run_scoped3A : memref<!tpu.dma_semaphore, #tpu.memory_space<semaphore_mem>>) src(%arg10 : memref<640x32xf32, #tpu.memory_space<vmem>>) dst(%dma_wait3A_24 : memref<640x32xf32, #tpu.memory_space<hbm>>)
      tpu.yield
    }) : () -> ()
    return
  }
}

module attributes {stable_mosaic.version = 14 : i64} {
  func.func @_mlp_body(%arg0: memref<10240x128xf32, #tpu.memory_space<vmem>>, %arg1: memref<128x128xf32, #tpu.memory_space<vmem>>, %arg2: memref<1x128xf32, #tpu.memory_space<vmem>>, %arg3: memref<128x64xf32, #tpu.memory_space<vmem>>, %arg4: memref<1x64xf32, #tpu.memory_space<vmem>>, %arg5: memref<10240x64xf32, #tpu.memory_space<vmem>>) attributes {dimension_semantics = [], scalar_prefetch = 0 : i64, scratch_operands = 0 : i64, tpu.core_type = #tpu.core_type<tc>} {
    %get3A = arith.constant 0 : index
    %get3A_0 = arith.constant 0 : index
    %get3A_1 = vector.load %arg0[%get3A, %get3A_0] : memref<10240x128xf32, #tpu.memory_space<vmem>>, vector<10240x128xf32>
    %get3A_2 = arith.constant 0 : index
    %get3A_3 = arith.constant 0 : index
    %get3A_4 = vector.load %arg1[%get3A_2, %get3A_3] : memref<128x128xf32, #tpu.memory_space<vmem>>, vector<128x128xf32>
    %dot_general3A = arith.constant dense<0.000000e+00> : vector<10240x128xf32>
    %dot_general3A_5 = tpu.matmul %get3A_1, %get3A_4, %dot_general3A {dimension_numbers = #tpu.dot_dimension_numbers<[1], [0], [0], [1], [0, 0, 1, 1], [], []>, precision = #tpu.contract_precision<fp32>, transpose_lhs_hint = false} : vector<10240x128xf32>, vector<128x128xf32>, vector<10240x128xf32> -> vector<10240x128xf32>
    %get3A_6 = arith.constant 0 : index
    %get3A_7 = arith.constant 0 : index
    %get3A_8 = vector.load %arg2[%get3A_6, %get3A_7] : memref<1x128xf32, #tpu.memory_space<vmem>>, vector<1x128xf32>
    %add3A = vector.broadcast %get3A_8 : vector<1x128xf32> to vector<10240x128xf32>
    %add3A_9 = arith.addf %dot_general3A_5, %add3A : vector<10240x128xf32>
    %max3A = arith.constant 0.000000e+00 : f32
    %max3A_10 = vector.broadcast %max3A : f32 to vector<10240x128xf32>
    %max3A_11 = arith.maximumf %add3A_9, %max3A_10 : vector<10240x128xf32>
    %get3A_12 = arith.constant 0 : index
    %get3A_13 = arith.constant 0 : index
    %get3A_14 = vector.load %arg3[%get3A_12, %get3A_13] : memref<128x64xf32, #tpu.memory_space<vmem>>, vector<128x64xf32>
    %dot_general3A_15 = arith.constant dense<0.000000e+00> : vector<10240x64xf32>
    %dot_general3A_16 = tpu.matmul %max3A_11, %get3A_14, %dot_general3A_15 {dimension_numbers = #tpu.dot_dimension_numbers<[1], [0], [0], [1], [0, 0, 1, 1], [], []>, precision = #tpu.contract_precision<fp32>, transpose_lhs_hint = false} : vector<10240x128xf32>, vector<128x64xf32>, vector<10240x64xf32> -> vector<10240x64xf32>
    %get3A_17 = arith.constant 0 : index
    %get3A_18 = arith.constant 0 : index
    %get3A_19 = vector.load %arg4[%get3A_17, %get3A_18] : memref<1x64xf32, #tpu.memory_space<vmem>>, vector<1x64xf32>
    %add3A_20 = vector.broadcast %get3A_19 : vector<1x64xf32> to vector<10240x64xf32>
    %add3A_21 = arith.addf %dot_general3A_16, %add3A_20 : vector<10240x64xf32>
    %swap3A = arith.constant 0 : index
    %swap3A_22 = arith.constant 0 : index
    %swap3A_23 = vector.load %arg5[%swap3A, %swap3A_22] : memref<10240x64xf32, #tpu.memory_space<vmem>>, vector<10240x64xf32>
    tpu.vector_store %arg5[%swap3A, %swap3A_22], %add3A_21 {strides = array<i32>} : memref<10240x64xf32, #tpu.memory_space<vmem>>, vector<10240x64xf32>,
    return
  }
}

module attributes {stable_mosaic.version = 14 : i64} {
  func.func @_prep_body(%arg0: memref<10240x64xf32, #tpu.memory_space<vmem>>, %arg1: memref<2x10240xf32, #tpu.memory_space<vmem>>, %arg2: memref<2x10240x32xf32, #tpu.memory_space<vmem>>, %arg3: memref<10240x32xf32, #tpu.memory_space<vmem>>, %arg4: memref<10240x32xf32, #tpu.memory_space<vmem>>) attributes {dimension_semantics = [], scalar_prefetch = 0 : i64, scratch_operands = 0 : i64, tpu.core_type = #tpu.core_type<tc>} {
    %get3A = arith.constant 0 : index
    %get3A_0 = arith.constant 0 : index
    %get3A_1 = vector.load %arg1[%get3A, %get3A_0] : memref<2x10240xf32, #tpu.memory_space<vmem>>, vector<1x10240xf32>
    %get3A_2 = vector.shape_cast %get3A_1 : vector<1x10240xf32> to vector<10240xf32>
    %get3A_3 = arith.constant 1 : index
    %get3A_4 = arith.constant 0 : index
    %get3A_5 = vector.load %arg1[%get3A_3, %get3A_4] : memref<2x10240xf32, #tpu.memory_space<vmem>>, vector<1x10240xf32>
    %get3A_6 = vector.shape_cast %get3A_5 : vector<1x10240xf32> to vector<10240xf32>
    %add3A = arith.addf %get3A_2, %get3A_6 : vector<10240xf32>
    %add3A_7 = arith.constant 1.000000e+00 : f32
    %add3A_8 = vector.broadcast %add3A_7 : f32 to vector<10240xf32>
    %add3A_9 = arith.addf %add3A, %add3A_8 : vector<10240xf32>
    %rsqrt3A = math.rsqrt %add3A_9 : vector<10240xf32>
    %mul3A = arith.constant 0.899999976 : f32
    %mul3A_10 = vector.broadcast %mul3A : f32 to vector<10240xf32>
    %mul3A_11 = arith.mulf %mul3A_10, %rsqrt3A : vector<10240xf32>
    %mul3A_12 = arith.mulf %mul3A_11, %rsqrt3A : vector<10240xf32>
    %broadcast_in_dim3A = vector.shape_cast %mul3A_12 : vector<10240xf32> to vector<10240x1xf32>
    %broadcast_in_dim3A_13 = vector.shape_cast %broadcast_in_dim3A : vector<10240x1xf32> to vector<10240x1xf32>
    %broadcast_in_dim3A_14 = vector.broadcast %broadcast_in_dim3A_13 : vector<10240x1xf32> to vector<10240x32xf32>
    %swap3A = arith.constant 0 : index
    %swap3A_15 = arith.constant 0 : index
    %swap3A_16 = vector.load %arg3[%swap3A, %swap3A_15] : memref<10240x32xf32, #tpu.memory_space<vmem>>, vector<10240x32xf32>
    tpu.vector_store %arg3[%swap3A, %swap3A_15], %broadcast_in_dim3A_14 {strides = array<i32>} : memref<10240x32xf32, #tpu.memory_space<vmem>>, vector<10240x32xf32>,
    %mul3A_17 = arith.mulf %add3A_9, %rsqrt3A : vector<10240xf32>
    %broadcast_in_dim3A_18 = vector.shape_cast %mul3A_17 : vector<10240xf32> to vector<10240x1xf32>
    %broadcast_in_dim3A_19 = vector.shape_cast %broadcast_in_dim3A_18 : vector<10240x1xf32> to vector<10240x1xf32>
    %broadcast_in_dim3A_20 = vector.broadcast %broadcast_in_dim3A_19 : vector<10240x1xf32> to vector<10240x32xf32>
    %swap3A_21 = arith.constant 0 : index
    %swap3A_22 = arith.constant 0 : index
    %swap3A_23 = vector.load %arg4[%swap3A_21, %swap3A_22] : memref<10240x32xf32, #tpu.memory_space<vmem>>, vector<10240x32xf32>
    tpu.vector_store %arg4[%swap3A_21, %swap3A_22], %broadcast_in_dim3A_20 {strides = array<i32>} : memref<10240x32xf32, #tpu.memory_space<vmem>>, vector<10240x32xf32>,
    %get3A_24 = arith.constant 0 : index
    %get3A_25 = arith.constant 0 : index
    %get3A_26 = vector.load %arg0[%get3A_24, %get3A_25] : memref<10240x64xf32, #tpu.memory_space<vmem>>, vector<10240x64xf32>
    %broadcast_in_dim3A_27 = vector.shape_cast %rsqrt3A : vector<10240xf32> to vector<10240x1xf32>
    %mul3A_28 = vector.broadcast %broadcast_in_dim3A_27 : vector<10240x1xf32> to vector<10240x64xf32>
    %mul3A_29 = arith.mulf %get3A_26, %mul3A_28 : vector<10240x64xf32>
    %slice3A = vector.extract_strided_slice %mul3A_29 {offsets = [0, 0], sizes = [10240, 32], strides = [1, 1]} : vector<10240x64xf32> to vector<10240x32xf32>
    %swap3A_30 = arith.constant 0 : index
    %swap3A_31 = arith.constant 0 : index
    %swap3A_32 = arith.constant 0 : index
    %swap3A_33 = vector.load %arg2[%swap3A_30, %swap3A_31, %swap3A_32] : memref<2x10240x32xf32, #tpu.memory_space<vmem>>, vector<1x10240x32xf32>
    %swap3A_34 = vector.shape_cast %swap3A_33 : vector<1x10240x32xf32> to vector<10240x32xf32>
    %swap3A_35 = vector.shape_cast %slice3A : vector<10240x32xf32> to vector<1x10240x32xf32>
    tpu.vector_store %arg2[%swap3A_30, %swap3A_31, %swap3A_32], %swap3A_35 {strides = array<i32>} : memref<2x10240x32xf32, #tpu.memory_space<vmem>>, vector<1x10240x32xf32>,
    %slice3A_36 = vector.extract_strided_slice %mul3A_29 {offsets = [0, 32], sizes = [10240, 32], strides = [1, 1]} : vector<10240x64xf32> to vector<10240x32xf32>
    %swap3A_37 = arith.constant 1 : index
    %swap3A_38 = arith.constant 0 : index
    %swap3A_39 = arith.constant 0 : index
    %swap3A_40 = vector.load %arg2[%swap3A_37, %swap3A_38, %swap3A_39] : memref<2x10240x32xf32, #tpu.memory_space<vmem>>, vector<1x10240x32xf32>
    %swap3A_41 = vector.shape_cast %swap3A_40 : vector<1x10240x32xf32> to vector<10240x32xf32>
    %swap3A_42 = vector.shape_cast %slice3A_36 : vector<10240x32xf32> to vector<1x10240x32xf32>
    tpu.vector_store %arg2[%swap3A_37, %swap3A_38, %swap3A_39], %swap3A_42 {strides = array<i32>} : memref<2x10240x32xf32, #tpu.memory_space<vmem>>, vector<1x10240x32xf32>,
    return
  }
}

</mosaic_0001>

<sc_bundles>
// kernel: kernel.6.cloned.1.call-start
scs
__scs_entry_jumppad:
0x0: {  	(pc) =	sbr.rel $0x88, $3  }
0x1: {  	(tag) =	ssettag $0x0;
	lr =	simm.s32 $0x1  }
0x2: {  	[smem:$0x3F9B] =	sst lr;
	_ =	strace $0xD0000000  }
0x3: {  	_ = 	snop  }
0x4: {  	_ = 	snop  }
0x5: {  	_ = 	snop  }
0x6: {  	_ = 	snop  }
0x7: {  	_ = 	snop  }
__scs_overlays_trampoline_lowered:
0x8: {  	[smem:$0x3FAA] =	sst s0  }
0x9: {  	[smem:$0x3FAB] =	sst s1  }
0xa: {  	[smem:$0x3FAC] =	sst s2  }
0xb: {  	[smem:$0x3FAD] =	sst s3  }
0xc: {  	[smem:$0x3FAE] =	sst s4  }
0xd: {  	[smem:$0x3FAF] =	sst s5  }
0xe: {  	[smem:$0x3FB0] =	sst s6  }
0xf: {  	[smem:$0x3FB1] =	sst s7  }
0x10: {  	[smem:$0x3FB2] =	sst s8  }
0x11: {  	[smem:$0x3FB3] =	sst s9;
	s0 =	simm.s32 @!p0 $0x0  }
0x12: {  	s1 =	sld [smem:$0x3F99];
	s0 =	simm.s32 @p0 $0x1  }
0x13: {  	[smem:$0x3FB4] =	sst s0;
	s0 =	simm.s32 @!p1 $0x0  }
0x14: {  	s2 =	sld [smem:$0x3F98];
	s0 =	simm.s32 @p1 $0x1  }
0x15: {  	[smem:$0x3FB5] =	sst s0;
	s0 =	simm.s32 @!p2 $0x0  }
0x16: {  	s3 =	sld [smem:$0x3FDB];
	s0 =	simm.s32 @p2 $0x1  }
0x17: {  	s4 =	simm.s32 $0x1BF5;
	[smem:$0x3FB7] =	sst s0  }
0x18: {  	s0 =	sld [smem:$0x3F9A];
	_ =	swait.ge [sflag:s4], $0x0  }
0x19: {  	s7 =	sld [smem:$0x3F9B]  }
0x1a: {  	s8 =	sadd.s32 $0xFFFFE003, lr  }
0x1b: {  	s9 =	sadd.s32 $0xFFFFFEF7, lr;
	s5 =	simm.s32 $0xFFFFFFFF;
	p2 =	slt.u32 s8, $0xFFFFF086  }
0x1c: {  	p1 =	slt.u32 s9, $0xF7A;
	s5 =	simm.s32 @!p2 $0x0  }
0x1d: {  	s5 =	simm.s32 @p1 $0x1;
	p0 =	seq.s32 s7, s2  }
0x1e: {  	s7 =	smul.u32 @!p0 $0xF7A, s2;
	p2 =	seq.s32 @!p0 s5, $0x0  }
0x1f: {  	s9 =	smul.u32 $0xF7A, s1;
	s8 =	simm.s32 @!p0 $0x1BF5;
	p2 =	por !p2, p0  }
0x20: {  	[sflag:s8] =	ssyncset.s32 @!p0 $0xFFFFF086;
	s6 =	sadd.s32 @!p0 s3, s7;
	s7 =	simm.s32 @!p0 $0x108  }
0x21: {  	s3 =	sadd.s32 s3, s9;
	s6 =	sadd.s32 @!p0 $0x88, s6;
	s7 =	simm.s32 @p2 $0x1082  }
0x22: {  	[simem:s7], [sflag:s8] =	dma.local @!p0 [hbm:s6], $0xF7A  }
0x23: {  	s9 =	sor.u32 $0xD0000000, s2;
	s6 =	simm.s32 $0x108;
	_ =	swait.ge @!p0 [sflag:s8], $0x0  }
0x24: {  	s3 =	sadd.s32 $0x88, s3;
	s6 =	simm.s32 @!p1 $0x1082;
	[sflag:s4] =	ssyncset.s32 $0xFFFFF086  }
0x25: {  	[simem:s6], [sflag:s4] =	dma.local [hbm:s3], $0xF7A  }
0x26: {  	[smem:$0x3F9B] =	sst s1;
	(tag) =	ssettag s2;
	_ =	strace s9  }
0x27: {  	s1 =	sld [smem:$0x3FAB]  }
0x28: {  	s2 =	sld [smem:$0x3FAC]  }
0x29: {  	s4 =	sld [smem:$0x3FAE]  }
0x2a: {  	p0 =	seq.s32 s5, $0x0;
	s5 =	sld [smem:$0x3FAF]  }
0x2b: {  	s6 =	sld [smem:$0x3FB0]  }
0x2c: {  	s7 =	sld [smem:$0x3FB1]  }
0x2d: {  	s3 =	simm.s32 $0x108;
	s8 =	sld [smem:$0x3FB2]  }
0x2e: {  	s3 =	simm.s32 @!p0 $0x1082;
	s9 =	sld [smem:$0x3FB3]  }
0x2f: {  	lr =	sadd.s32 s0, s3;
	s0 =	sld [smem:$0x3FAA]  }
0x30: {  	s3 =	sld [smem:$0x3FAD]  }
0x31: {  	[smem:$0x3FB6] =	sst s10  }
0x32: {  	s10 =	sld [smem:$0x3FB4];
	_ =	sdelay $0x3  }
0x33: {  	p0 =	seq.s32 s10, $0x1;
	s10 =	sld [smem:$0x3FB6];
	_ =	sdelay $0x3  }
0x34: {  	[smem:$0x3FB6] =	sst s10  }
0x35: {  	s10 =	sld [smem:$0x3FB5];
	_ =	sdelay $0x3  }
0x36: {  	p1 =	seq.s32 s10, $0x1;
	s10 =	sld [smem:$0x3FB6];
	_ =	sdelay $0x3  }
0x37: {  	[smem:$0x3FB6] =	sst s10  }
0x38: {  	s10 =	sld [smem:$0x3FB7]  }
0x39: {  	_ = 	snop;
	(pc) =	sbr.ind lr, $3  }
0x3a: {  	_ = 	snop  }
0x3b: {  	_ = 	snop  }
0x3c: {  	p2 =	seq.s32 s10, $0x1;
	s10 =	sld [smem:$0x3FB6]  }
0x3d: {  	_ =	shalt  }
0x3e: {  	_ =	shalt  }
0x3f: {  	_ =	shalt  }
0x40: {  	_ =	shalt  }
0x41: {  	_ =	shalt  }
0x42: {  	_ =	shalt  }
0x43: {  	_ =	shalt  }
0x44: {  	_ =	shalt  }
0x45: {  	_ =	shalt  }
0x46: {  	_ =	shalt  }
0x47: {  	_ =	shalt  }
0x48: {  	_ =	shalt  }
0x49: {  	_ =	shalt  }
0x4a: {  	_ =	shalt  }
0x4b: {  	_ =	shalt  }
0x4c: {  	_ =	shalt  }
0x4d: {  	_ =	shalt  }
0x4e: {  	_ =	shalt  }
0x4f: {  	_ =	shalt  }
0x50: {  	_ =	shalt  }
0x51: {  	_ =	shalt  }
0x52: {  	_ =	shalt  }
0x53: {  	_ =	shalt  }
0x54: {  	_ =	shalt  }
0x55: {  	_ =	shalt  }
0x56: {  	_ =	shalt  }
0x57: {  	_ =	shalt  }
0x58: {  	_ =	shalt  }
0x59: {  	_ =	shalt  }
0x5a: {  	_ =	shalt  }
0x5b: {  	_ =	shalt  }
0x5c: {  	_ =	shalt  }
0x5d: {  	_ =	shalt  }
0x5e: {  	_ =	shalt  }
0x5f: {  	_ =	shalt  }
0x60: {  	_ =	shalt  }
0x61: {  	_ =	shalt  }
0x62: {  	_ =	shalt  }
0x63: {  	_ =	shalt  }
0x64: {  	_ =	shalt  }
0x65: {  	_ =	shalt  }
0x66: {  	_ =	shalt  }
0x67: {  	_ =	shalt  }
0x68: {  	_ =	shalt  }
0x69: {  	_ =	shalt  }
0x6a: {  	_ =	shalt  }
0x6b: {  	_ =	shalt  }
0x6c: {  	_ =	shalt  }
0x6d: {  	_ =	shalt  }
0x6e: {  	_ =	shalt  }
0x6f: {  	_ =	shalt  }
0x70: {  	_ =	shalt  }
0x71: {  	_ =	shalt  }
0x72: {  	_ =	shalt  }
0x73: {  	_ =	shalt  }
0x74: {  	_ =	shalt  }
0x75: {  	_ =	shalt  }
0x76: {  	_ =	shalt  }
0x77: {  	_ =	shalt  }
0x78: {  	_ =	shalt  }
0x79: {  	_ =	shalt  }
0x7a: {  	_ =	shalt  }
0x7b: {  	_ =	shalt  }
0x7c: {  	_ =	shalt  }
0x7d: {  	_ =	shalt  }
0x7e: {  	_ =	shalt  }
0x7f: {  	_ =	shalt  }
0x80: {  	_ =	shalt  }
0x81: {  	_ =	shalt  }
0x82: {  	_ =	shalt  }
0x83: {  	_ =	shalt  }
0x84: {  	_ =	shalt  }
0x85: {  	_ =	shalt  }
0x86: {  	_ =	shalt  }
0x87: {  	_ =	shalt  }
.Lfunc_end0:
.L_simem_size_0:
called_computation_lowered:
.L_overlay_start_0:
0x88: {  	s2 =	sld [smem:$0x3FD9]  }
0x89: {  	s3 =	sld [smem:$0x3FFE];
	_ =	sdelay $0x1  }
0x8a: {  	s1 =	srdreg.scid  }
0x8b: {  	s0 =	sand.u32 $0x1, s1  }
0x8c: {  	s17 =	sshll.u32 s0, $0xA;
	s2 =	sadd.s32 s3, s2  }
0x8d: {  	s2 =	sadd.s32 s2, s17  }
0x8e: {  	[smem:$0x3FC2] =	sst s2  }
0x8f: {  	_ = 	snop  }
0x90: {  	s2 =	sld [smem:$0x3FD0];
	(tm) =	ssettm $0x1  }
0x91: {  	s18 =	sld [smem:$0x3FFB];
	_ =	sdelay $0x3  }
0x92: {  	_ =	strace s18  }
0x93: {  	s3 =	sld [smem:$0x3FFC];
	_ =	sdelay $0x3  }
0x94: {  	_ =	strace s3  }
0x95: {  	s3 =	sld [smem:$0x3FFD];
	_ =	sdelay $0x3  }
0x96: {  	_ =	strace s3  }
0x97: {  	_ =	strace $0x8FFFFFFF  }
0x98: {  	s19 =	sld [smem:$0x3FDB];
	_ =	sdelay $0x1  }
0x99: {  	s4 =	simm.s32 $_scs_section_size  }
0x9a: {  	s5 =	simm.s32 $_size__tile_overlayer_lowered;
	s6 =	simm.s32 $_tile_overlayer_lowered  }
0x9b: {  	s22 =	simm.s32 $0x1BFF;
	s21 =	sshll.u32 s6, $0x1;
	s3 =	sadd.s32 s4, s19  }
0x9c: {  	s7 =	simm.s32 $0x0;
	s20 =	sshll.u32 s5, $0x1;
	s5 =	sadd.s32 s21, s3  }
0x9d: {  	[timem:s7], [sflag:s22] =	dma.local [hbm:s5], s20  }
0x9e: {  	_ =	swait.ge [sflag:s22], s20  }
0x9f: {  	s4 =	ssub.s32 $0x0, s20;
	[sflag:s22] =	ssyncset.done $0x0  }
0xa0: {  	[sflag:s22] =	ssyncadd.s32 s4;
	_ =	sdelay $0x1  }
0xa1: {  	s23 =	simm.s32 $0x1B8B  }
0xa2: {  	_ =	swait.ge [sflag:s23], $0x1  }
0xa3: {  	[sflag:s23] =	ssyncset.done $0x0  }
0xa4: {  	s25 =	simm.s32 $0x1B8E;
	s24 =	sld [smem:$0x3FFE];
	[sflag:s23] =	ssyncadd.s32 $0xFFFFFFFF  }
0xa5: {  	s26 =	simm.s32 $execute0_lowered;
	[smem:$0x3FD2] =	sst s25  }
0xa6: {  	s5 =	sshll.u32 s26, $0x1;
	_ =	strace $0x80000046;
	[dreg:$0x1] =	wrdreg $0xFFFFFFFF  }
0xa7: {  	s28 =	simm.s32 $_size_execute0_lowered;
	s3 =	sadd.s32 s3, s5;
	[dreg:$0x0] =	wrdreg $0x0  }
0xa8: {  	s5 =	sshll.u32 s28, $0x1;
	[dreg:$0x2] =	wrdreg s3  }
0xa9: {  	[dreg:$0x3] =	wrdreg s5  }
0xaa: {  	[dreg:$0x4] =	wrdreg $0xC0  }
0xab: {  	_ =	task [dreg:s7], $0x5FFFF  }
0xac: {  	[dreg:$0x1] =	wrdreg $0xFFFFFFFF  }
0xad: {  	[dreg:$0x0] =	wrdreg $0x60  }
0xae: {  	[dreg:$0x2] =	wrdreg s2  }
0xaf: {  	[dreg:$0x3] =	wrdreg s24  }
0xb0: {  	[dreg:$0x4] =	wrdreg $0x0  }
0xb1: {  	[dreg:$0x5] =	wrdreg $0x9  }
0xb2: {  	_ =	task.clear_ibuf [dreg:s7], $0x6FFFF;
	_ =	strace $0x90000046  }
0xb3: {  	s29 =	simm.s32 $0x9;
	_ =	strace $0x80000048  }
0xb4: {  	_ =	swait.ge [sflag:s29], $0x1  }
0xb5: {  	[sflag:s29] =	ssyncadd.s32 $0xFFFFFFFF  }
0xb6: {  	_ =	strace $0x90000048  }
0xb7: {  	_ =	sfence  }
0xb8: {  	s30 =	sld [smem:$0x0];
	_ =	sdelay $0x2  }
0xb9: {  	s31 =	sshll.u32 s1, $0xD;
	s1 =	sshrl.u32 s1, $0x2  }
0xba: {  	s3 =	sand.u32 $0x4000, s31;
	s1 =	sadd.s32 s1, s30  }
0xbb: {  	s0 =	sor.u32 s3, s0;
	s1 =	sshll.u32 s1, $0x11  }
0xbc: {  	s0 =	sor.u32 s1, s0  }
0xbd: {  	s0 =	sadd.s32 $0x8F2B, s0  }
0xbe: {  	[sflag:s0] =	ssyncadd.remote.s32 $0x1  }
0xbf: {  	_ =	sfence.sel $0xFFFF  }
0xc0: {  	[dreg:$0x0] =	wrdreg $0xFFFFFFFF;
	(pc) =	sbr.abs _section_cstart, $3  }
0xc1: {  	[dreg:$0x1] =	wrdreg $0xFFFFFFFF  }
0xc2: {  	_ =	task.clear_ibuf [dreg:s7], $0x2FFFF;
	_ =	strace $0x9FFFFFFF  }
0xc3: {  	(tm) =	ssettm $0x7FFFFFFF  }
tec
execute0_lowered:
.L_overlay_start_1:
0x0: {  	(tag) =	ssettag $0x1  }
0x1: {  	s6 =	rddreg [dreg:$0x0]  }
0x2: {  	s1 =	srdreg.scid;
	s4 =	rddreg [dreg:$0x1]  }
0x3: {  	s0 =	stileid.u32;
	s2 =	rddreg [dreg:$0x2]  }
0x4: {  	s3 =	simm.s32 $0x0;
	s17 =	simm.s32 $0x680;
	s18 =	simm.s32 $0x1  }
0x5: {  	s19 =	simm.s32 $0x900;
	s20 =	simm.s32 $0x400;
	s7 =	smul.u32 $0x280, s0  }
0x6: {  	s21 =	simm.s32 $0x280;
	s5 =	sand.u32 $0x1, s1;
	s10 =	smul.u32 $0x2800, s0  }
0x7: {  	s22 =	simm.s32 $0x0;
	s1 =	rddreg [dreg:$0x3];
	s8 =	smul.u32 $0x2800, s5  }
0x8: {  	[smem:$0x7FF] =	sst s3;
	s9 =	smul.u32 $0x28000, s5;
	s5 =	ssub.s32 $0x2, s5  }
0x9: {  	_ =	strace $0x80000047;
	s29 =	sshrl.u32 s5, $0x1;
	s8 =	sadd.s32 s7, s8  }
0xa: {  	s9 =	sadd.s32 s10, s9;
	s30 =	ssub.s32 s5, s29;
	s8 =	sshrl.u32 s8, $0x3  }
0xb: {  	s31 =	sshrl.u32 s9, $0x3;
	s8 =	sadd.s32 s8, s4;
	s4 =	sadd.s32 s7, s2  }
0xc: {  	s6 =	sadd.s32 s6, s31;
	s7 =	smax.u32 s30, $0x1;
	s5 =	sadd.s32 $0x1400, s8  }
0xd: {  	s8 =	sadd.s32 $0x80, s6;
	s9 =	sadd.s32 $0x100, s6;
	s10 =	sadd.s32 $0x180, s6  }
0xe: {  	s11 =	sadd.s32 $0x200, s6;
	s12 =	sadd.s32 $0x280, s6;
	s13 =	sadd.s32 $0x300, s6  }
0xf: {  	v0 =	vimm.f32 $1.000000000e+00;
	v1 =	vimm.f32 $0.0e+00;
	s14 =	sadd.s32 $0x380, s6;
	s15 =	sadd.s32 $0x400, s6;
	s16 =	sadd.s32 $0x480, s6  }
.LBB2_1:
0x10: {  	s23 =	simm.s32 $0x40;
	s24 =	simm.s32 $0x0  }
.LBB2_2:
0x11: {  	p0 =	sne.s32 s23, $0xFC0;
	[tilespmem:s24+$0x280] =	vst v0;
	s24 =	smov.u32 s23;
	s23 =	sadd.s32 $0x40, s23  }
.Ltmp0:
0x12: {  	(pc) =	sbr.rel @p0 .LBB2_2-.Ltmp0, $2  }
0x13: {  	_ =	sdelay $0x2  }
0x14: {  	s24 =	sshra.s32 s24, $0x2  }
0x15: {  	[tilespmem:s24+$0x280] =	vst v0  }
0x16: {  	[tilespmem:$0x680] =	vst v1  }
0x17: {  	[tilespmem:$0x690] =	vst v1  }
0x18: {  	[tilespmem:$0x6A0] =	vst v1  }
0x19: {  	[tilespmem:$0x6B0] =	vst v1  }
0x1a: {  	[tilespmem:$0x6C0] =	vst v1  }
0x1b: {  	[tilespmem:$0x6D0] =	vst v1  }
0x1c: {  	[tilespmem:$0x6E0] =	vst v1  }
0x1d: {  	[tilespmem:$0x6F0] =	vst v1  }
0x1e: {  	[tilespmem:$0x700] =	vst v1  }
0x1f: {  	[tilespmem:$0x710] =	vst v1  }
0x20: {  	[tilespmem:$0x720] =	vst v1  }
0x21: {  	[tilespmem:$0x730] =	vst v1  }
0x22: {  	[tilespmem:$0x740] =	vst v1  }
0x23: {  	[tilespmem:$0x750] =	vst v1  }
0x24: {  	[tilespmem:$0x760] =	vst v1  }
0x25: {  	[tilespmem:$0x770] =	vst v1  }
0x26: {  	[tilespmem:$0x780] =	vst v1  }
0x27: {  	[tilespmem:$0x790] =	vst v1  }
0x28: {  	[tilespmem:$0x7A0] =	vst v1  }
0x29: {  	[tilespmem:$0x7B0] =	vst v1  }
0x2a: {  	[tilespmem:$0x7C0] =	vst v1  }
0x2b: {  	[tilespmem:$0x7D0] =	vst v1  }
0x2c: {  	[tilespmem:$0x7E0] =	vst v1  }
0x2d: {  	[tilespmem:$0x7F0] =	vst v1  }
0x2e: {  	[tilespmem:$0x800] =	vst v1  }
0x2f: {  	[tilespmem:$0x810] =	vst v1  }
0x30: {  	[tilespmem:$0x820] =	vst v1  }
0x31: {  	[tilespmem:$0x830] =	vst v1  }
0x32: {  	[tilespmem:$0x840] =	vst v1  }
0x33: {  	[tilespmem:$0x850] =	vst v1  }
0x34: {  	[tilespmem:$0x860] =	vst v1  }
0x35: {  	[tilespmem:$0x870] =	vst v1  }
0x36: {  	[tilespmem:$0x880] =	vst v1  }
0x37: {  	[tilespmem:$0x890] =	vst v1  }
0x38: {  	[tilespmem:$0x8A0] =	vst v1  }
0x39: {  	[tilespmem:$0x8B0] =	vst v1  }
0x3a: {  	[tilespmem:$0x8C0] =	vst v1  }
0x3b: {  	[tilespmem:$0x8D0] =	vst v1  }
0x3c: {  	[tilespmem:$0x8E0] =	vst v1  }
0x3d: {  	[tilespmem:$0x8F0] =	vst v1  }
0x3e: {  	[spmem:s4] =	stream.linear.scatter [tilespmem:s17], [sflag:$0x1], $0x280, $0x38;
	[tilespmem:$0xD00] =	vst v63  }
0x3f: {  	_ =	swait.ge [sflag:s18], $0x280  }
0x40: {  	[sflag:s18] =	ssyncset.done $0x0  }
0x41: {  	[sflag:s18] =	ssyncadd.s32 $0xFFFFFD80  }
0x42: {  	[bflag:$0x0] =	sbarrier.arrive $0xFFFF  }
0x43: {  	[tilespmem:s19], [sflag:$0x1] =	stream.linear.gather [hbm4b:s6+s3], $0x400, $0x38;
	[tilespmem:$0xD00] =	vst v63  }
0x44: {  	_ =	swait.ge [sflag:s18], $0x400  }
0x45: {  	[sflag:s18] =	ssyncset.done $0x0  }
0x46: {  	[sflag:s18] =	ssyncadd.s32 $0xFFFFFC00  }
0x47: {  	[spmem:s2] =	stream.indirect.scatter.add.f32 [tilespmem:s21], [sflag:$0x1], $0x1, s19, s20, $0xb8;
	[tilespmem:$0xD00] =	vst v63  }
0x48: {  	_ =	swait.ge [sflag:s18], $0x400  }
0x49: {  	[sflag:s18] =	ssyncset.done $0x0  }
0x4a: {  	[sflag:s18] =	ssyncadd.s32 $0xFFFFFC00  }
0x4b: {  	[tilespmem:s19], [sflag:$0x1] =	stream.linear.gather [hbm4b:s8+s3], $0x400, $0x38;
	[tilespmem:$0xD00] =	vst v63  }
0x4c: {  	_ =	swait.ge [sflag:s18], $0x400  }
0x4d: {  	[sflag:s18] =	ssyncset.done $0x0  }
0x4e: {  	[sflag:s18] =	ssyncadd.s32 $0xFFFFFC00  }
0x4f: {  	[spmem:s2] =	stream.indirect.scatter.add.f32 [tilespmem:s21], [sflag:$0x1], $0x1, s19, s20, $0xb8;
	[tilespmem:$0xD00] =	vst v63  }
0x50: {  	_ =	swait.ge [sflag:s18], $0x400  }
0x51: {  	[sflag:s18] =	ssyncset.done $0x0  }
0x52: {  	[sflag:s18] =	ssyncadd.s32 $0xFFFFFC00  }
0x53: {  	[tilespmem:s19], [sflag:$0x1] =	stream.linear.gather [hbm4b:s9+s3], $0x400, $0x38;
	[tilespmem:$0xD00] =	vst v63  }
0x54: {  	_ =	swait.ge [sflag:s18], $0x400  }
0x55: {  	[sflag:s18] =	ssyncset.done $0x0  }
0x56: {  	[sflag:s18] =	ssyncadd.s32 $0xFFFFFC00  }
0x57: {  	[spmem:s2] =	stream.indirect.scatter.add.f32 [tilespmem:s21], [sflag:$0x1], $0x1, s19, s20, $0xb8;
	[tilespmem:$0xD00] =	vst v63  }
0x58: {  	_ =	swait.ge [sflag:s18], $0x400  }
0x59: {  	[sflag:s18] =	ssyncset.done $0x0  }
0x5a: {  	[sflag:s18] =	ssyncadd.s32 $0xFFFFFC00  }
0x5b: {  	[tilespmem:s19], [sflag:$0x1] =	stream.linear.gather [hbm4b:s10+s3], $0x400, $0x38;
	[tilespmem:$0xD00] =	vst v63  }
0x5c: {  	_ =	swait.ge [sflag:s18], $0x400  }
0x5d: {  	[sflag:s18] =	ssyncset.done $0x0  }
0x5e: {  	[sflag:s18] =	ssyncadd.s32 $0xFFFFFC00  }
0x5f: {  	[spmem:s2] =	stream.indirect.scatter.add.f32 [tilespmem:s21], [sflag:$0x1], $0x1, s19, s20, $0xb8;
	[tilespmem:$0xD00] =	vst v63  }
0x60: {  	_ =	swait.ge [sflag:s18], $0x400  }
0x61: {  	[sflag:s18] =	ssyncset.done $0x0  }
0x62: {  	[sflag:s18] =	ssyncadd.s32 $0xFFFFFC00  }
0x63: {  	[tilespmem:s19], [sflag:$0x1] =	stream.linear.gather [hbm4b:s11+s3], $0x400, $0x38;
	[tilespmem:$0xD00] =	vst v63  }
0x64: {  	_ =	swait.ge [sflag:s18], $0x400  }
0x65: {  	[sflag:s18] =	ssyncset.done $0x0  }
0x66: {  	[sflag:s18] =	ssyncadd.s32 $0xFFFFFC00  }
0x67: {  	[spmem:s2] =	stream.indirect.scatter.add.f32 [tilespmem:s21], [sflag:$0x1], $0x1, s19, s20, $0xb8;
	[tilespmem:$0xD00] =	vst v63  }
0x68: {  	_ =	swait.ge [sflag:s18], $0x400  }
0x69: {  	[sflag:s18] =	ssyncset.done $0x0  }
0x6a: {  	[sflag:s18] =	ssyncadd.s32 $0xFFFFFC00  }
0x6b: {  	[tilespmem:s19], [sflag:$0x1] =	stream.linear.gather [hbm4b:s12+s3], $0x400, $0x38;
	[tilespmem:$0xD00] =	vst v63  }
0x6c: {  	_ =	swait.ge [sflag:s18], $0x400  }
0x6d: {  	[sflag:s18] =	ssyncset.done $0x0  }
0x6e: {  	[sflag:s18] =	ssyncadd.s32 $0xFFFFFC00  }
0x6f: {  	[spmem:s2] =	stream.indirect.scatter.add.f32 [tilespmem:s21], [sflag:$0x1], $0x1, s19, s20, $0xb8;
	[tilespmem:$0xD00] =	vst v63  }
0x70: {  	_ =	swait.ge [sflag:s18], $0x400  }
0x71: {  	[sflag:s18] =	ssyncset.done $0x0  }
0x72: {  	[sflag:s18] =	ssyncadd.s32 $0xFFFFFC00  }
0x73: {  	[tilespmem:s19], [sflag:$0x1] =	stream.linear.gather [hbm4b:s13+s3], $0x400, $0x38;
	[tilespmem:$0xD00] =	vst v63  }
0x74: {  	_ =	swait.ge [sflag:s18], $0x400  }
0x75: {  	[sflag:s18] =	ssyncset.done $0x0  }
0x76: {  	[sflag:s18] =	ssyncadd.s32 $0xFFFFFC00  }
0x77: {  	[spmem:s2] =	stream.indirect.scatter.add.f32 [tilespmem:s21], [sflag:$0x1], $0x1, s19, s20, $0xb8;
	[tilespmem:$0xD00] =	vst v63  }
0x78: {  	_ =	swait.ge [sflag:s18], $0x400  }
0x79: {  	[sflag:s18] =	ssyncset.done $0x0  }
0x7a: {  	[sflag:s18] =	ssyncadd.s32 $0xFFFFFC00  }
0x7b: {  	[tilespmem:s19], [sflag:$0x1] =	stream.linear.gather [hbm4b:s14+s3], $0x400, $0x38;
	[tilespmem:$0xD00] =	vst v63  }
0x7c: {  	_ =	swait.ge [sflag:s18], $0x400  }
0x7d: {  	[sflag:s18] =	ssyncset.done $0x0  }
0x7e: {  	[sflag:s18] =	ssyncadd.s32 $0xFFFFFC00  }
0x7f: {  	[spmem:s2] =	stream.indirect.scatter.add.f32 [tilespmem:s21], [sflag:$0x1], $0x1, s19, s20, $0xb8;
	[tilespmem:$0xD00] =	vst v63  }
0x80: {  	_ =	swait.ge [sflag:s18], $0x400  }
0x81: {  	[sflag:s18] =	ssyncset.done $0x0  }
0x82: {  	[sflag:s18] =	ssyncadd.s32 $0xFFFFFC00  }
0x83: {  	[tilespmem:s19], [sflag:$0x1] =	stream.linear.gather [hbm4b:s15+s3], $0x400, $0x38;
	[tilespmem:$0xD00] =	vst v63  }
0x84: {  	_ =	swait.ge [sflag:s18], $0x400  }
0x85: {  	[sflag:s18] =	ssyncset.done $0x0  }
0x86: {  	[sflag:s18] =	ssyncadd.s32 $0xFFFFFC00  }
0x87: {  	[spmem:s2] =	stream.indirect.scatter.add.f32 [tilespmem:s21], [sflag:$0x1], $0x1, s19, s20, $0xb8;
	[tilespmem:$0xD00] =	vst v63  }
0x88: {  	_ =	swait.ge [sflag:s18], $0x400  }
0x89: {  	[sflag:s18] =	ssyncset.done $0x0  }
0x8a: {  	[sflag:s18] =	ssyncadd.s32 $0xFFFFFC00  }
0x8b: {  	[tilespmem:s19], [sflag:$0x1] =	stream.linear.gather [hbm4b:s16+s3], $0x400, $0x38;
	[tilespmem:$0xD00] =	vst v63  }
0x8c: {  	_ =	swait.ge [sflag:s18], $0x400  }
0x8d: {  	[sflag:s18] =	ssyncset.done $0x0  }
0x8e: {  	[sflag:s18] =	ssyncadd.s32 $0xFFFFFC00  }
0x8f: {  	[spmem:s2] =	stream.indirect.scatter.add.f32 [tilespmem:s21], [sflag:$0x1], $0x1, s19, s20, $0xb8;
	[tilespmem:$0xD00] =	vst v63  }
0x90: {  	_ =	swait.ge [sflag:s18], $0x400  }
0x91: {  	[sflag:s18] =	ssyncset.done $0x0  }
0x92: {  	[sflag:s18] =	ssyncadd.s32 $0xFFFFFC00  }
0x93: {  	[bflag:$0x0] =	sbarrier.arrive $0xFFFF  }
0x94: {  	[tilespmem:s17], [sflag:$0x1] =	stream.linear.gather [spmem:s4], $0x280, $0x38;
	[tilespmem:$0xD00] =	vst v63  }
0x95: {  	s22 =	sadd.s32 $0x1, s22;
	_ =	swait.ge [sflag:s18], $0x280  }
0x96: {  	p0 =	sne.s32 s22, s7;
	[sflag:s18] =	ssyncset.done $0x0  }
.Ltmp1:
0x97: {  	[sflag:s18] =	ssyncadd.s32 $0xFFFFFD80;
	(pc) =	sbr.rel @p0 .LBB2_1-.Ltmp1, $4  }
0x98: {  	[hbm4b:s5+s3] =	stream.linear.scatter [tilespmem:s17], [sflag:$0x1], $0x280, $0x38;
	[tilespmem:$0xD00] =	vst v63  }
0x99: {  	_ =	swait.ge [sflag:s18], $0x280  }
0x9a: {  	[sflag:s18] =	ssyncset.done $0x0  }
0x9b: {  	[sflag:s18] =	ssyncadd.s32 $0xFFFFFD80  }
0x9c: {  	_ =	sfence.sel $0x180000  }
0x9d: {  	[bflag:$0x0] =	sbarrier.arrive $0xFFFF  }
0x9e: {  	p0 =	sne.s32 s0, $0x0;
	_ =	strace $0x90000047  }
0x9f: {  	s0 =	sadd.s32 @!p0 $0x100000, s1;
	[bflag:$0x2] =	sbarrier.arrive $0xFFFF  }
0xa0: {  	[sflag:s0] =	ssyncadd.tile.s32 @!p0 $0x1;
	_ =	shalt  }
.Lfunc_end2:
_tile_overlayer_lowered:
.L_overlay_start_2:
0xa1: {  	(tag) =	ssettag $0x2  }
0xa2: {  	s0 =	rddreg [dreg:$0x0];
	s2 =	stileid.u32  }
0xa3: {  	s1 =	rddreg [dreg:$0x1];
	p0 =	sne.s32 s2, $0x0  }
0xa4: {  	s3 =	rddreg [dreg:$0x2];
	[bflag:$0x3] =	sbarrier.arrive $0xFFFF;
	s2 =	simm.s32 @!p0 $0x1C01  }
0xa5: {  	[timem:s3], [sflag:s2] =	dma.local @!p0 [hbm:s0], s1  }
0xa6: {  	s0 =	simm.s32 @!p0 $0x1  }
0xa7: {  	_ =	swait.ge @!p0 [sflag:s0], s1  }
0xa8: {  	s1 =	ssub.s32 @!p0 $0x0, s1;
	[sflag:s0] =	ssyncset.done @!p0 $0x0  }
0xa9: {  	[sflag:s0] =	ssyncadd.s32 @!p0 s1  }
0xaa: {  	[bflag:$0x3] =	sbarrier.arrive $0xFFFF  }
0xab: {  	_ =	shalt  }

// kernel: kernel.9.cloned.1.call-start
scs
__scs_entry_jumppad:
0x0: {  	(pc) =	sbr.rel $0x88, $3  }
0x1: {  	(tag) =	ssettag $0x0;
	lr =	simm.s32 $0x1  }
0x2: {  	[smem:$0x3F9B] =	sst lr;
	_ =	strace $0xD0000000  }
0x3: {  	_ = 	snop  }
0x4: {  	_ = 	snop  }
0x5: {  	_ = 	snop  }
0x6: {  	_ = 	snop  }
0x7: {  	_ = 	snop  }
__scs_overlays_trampoline_lowered:
0x8: {  	[smem:$0x3FAA] =	sst s0  }
0x9: {  	[smem:$0x3FAB] =	sst s1  }
0xa: {  	[smem:$0x3FAC] =	sst s2  }
0xb: {  	[smem:$0x3FAD] =	sst s3  }
0xc: {  	[smem:$0x3FAE] =	sst s4  }
0xd: {  	[smem:$0x3FAF] =	sst s5  }
0xe: {  	[smem:$0x3FB0] =	sst s6  }
0xf: {  	[smem:$0x3FB1] =	sst s7  }
0x10: {  	[smem:$0x3FB2] =	sst s8  }
0x11: {  	[smem:$0x3FB3] =	sst s9;
	s0 =	simm.s32 @!p0 $0x0  }
0x12: {  	s1 =	sld [smem:$0x3F99];
	s0 =	simm.s32 @p0 $0x1  }
0x13: {  	[smem:$0x3FB4] =	sst s0;
	s0 =	simm.s32 @!p1 $0x0  }
0x14: {  	s2 =	sld [smem:$0x3F98];
	s0 =	simm.s32 @p1 $0x1  }
0x15: {  	[smem:$0x3FB5] =	sst s0;
	s0 =	simm.s32 @!p2 $0x0  }
0x16: {  	s3 =	sld [smem:$0x3FDB];
	s0 =	simm.s32 @p2 $0x1  }
0x17: {  	s4 =	simm.s32 $0x1BF5;
	[smem:$0x3FB7] =	sst s0  }
0x18: {  	s0 =	sld [smem:$0x3F9A];
	_ =	swait.ge [sflag:s4], $0x0  }
0x19: {  	s7 =	sld [smem:$0x3F9B]  }
0x1a: {  	s8 =	sadd.s32 $0xFFFFE003, lr  }
0x1b: {  	s9 =	sadd.s32 $0xFFFFFEF7, lr;
	s5 =	simm.s32 $0xFFFFFFFF;
	p2 =	slt.u32 s8, $0xFFFFF086  }
0x1c: {  	p1 =	slt.u32 s9, $0xF7A;
	s5 =	simm.s32 @!p2 $0x0  }
0x1d: {  	s5 =	simm.s32 @p1 $0x1;
	p0 =	seq.s32 s7, s2  }
0x1e: {  	s7 =	smul.u32 @!p0 $0xF7A, s2;
	p2 =	seq.s32 @!p0 s5, $0x0  }
0x1f: {  	s9 =	smul.u32 $0xF7A, s1;
	s8 =	simm.s32 @!p0 $0x1BF5;
	p2 =	por !p2, p0  }
0x20: {  	[sflag:s8] =	ssyncset.s32 @!p0 $0xFFFFF086;
	s6 =	sadd.s32 @!p0 s3, s7;
	s7 =	simm.s32 @!p0 $0x108  }
0x21: {  	s3 =	sadd.s32 s3, s9;
	s6 =	sadd.s32 @!p0 $0x88, s6;
	s7 =	simm.s32 @p2 $0x1082  }
0x22: {  	[simem:s7], [sflag:s8] =	dma.local @!p0 [hbm:s6], $0xF7A  }
0x23: {  	s9 =	sor.u32 $0xD0000000, s2;
	s6 =	simm.s32 $0x108;
	_ =	swait.ge @!p0 [sflag:s8], $0x0  }
0x24: {  	s3 =	sadd.s32 $0x88, s3;
	s6 =	simm.s32 @!p1 $0x1082;
	[sflag:s4] =	ssyncset.s32 $0xFFFFF086  }
0x25: {  	[simem:s6], [sflag:s4] =	dma.local [hbm:s3], $0xF7A  }
0x26: {  	[smem:$0x3F9B] =	sst s1;
	(tag) =	ssettag s2;
	_ =	strace s9  }
0x27: {  	s1 =	sld [smem:$0x3FAB]  }
0x28: {  	s2 =	sld [smem:$0x3FAC]  }
0x29: {  	s4 =	sld [smem:$0x3FAE]  }
0x2a: {  	p0 =	seq.s32 s5, $0x0;
	s5 =	sld [smem:$0x3FAF]  }
0x2b: {  	s6 =	sld [smem:$0x3FB0]  }
0x2c: {  	s7 =	sld [smem:$0x3FB1]  }
0x2d: {  	s3 =	simm.s32 $0x108;
	s8 =	sld [smem:$0x3FB2]  }
0x2e: {  	s3 =	simm.s32 @!p0 $0x1082;
	s9 =	sld [smem:$0x3FB3]  }
0x2f: {  	lr =	sadd.s32 s0, s3;
	s0 =	sld [smem:$0x3FAA]  }
0x30: {  	s3 =	sld [smem:$0x3FAD]  }
0x31: {  	[smem:$0x3FB6] =	sst s10  }
0x32: {  	s10 =	sld [smem:$0x3FB4];
	_ =	sdelay $0x3  }
0x33: {  	p0 =	seq.s32 s10, $0x1;
	s10 =	sld [smem:$0x3FB6];
	_ =	sdelay $0x3  }
0x34: {  	[smem:$0x3FB6] =	sst s10  }
0x35: {  	s10 =	sld [smem:$0x3FB5];
	_ =	sdelay $0x3  }
0x36: {  	p1 =	seq.s32 s10, $0x1;
	s10 =	sld [smem:$0x3FB6];
	_ =	sdelay $0x3  }
0x37: {  	[smem:$0x3FB6] =	sst s10  }
0x38: {  	s10 =	sld [smem:$0x3FB7]  }
0x39: {  	_ = 	snop;
	(pc) =	sbr.ind lr, $3  }
0x3a: {  	_ = 	snop  }
0x3b: {  	_ = 	snop  }
0x3c: {  	p2 =	seq.s32 s10, $0x1;
	s10 =	sld [smem:$0x3FB6]  }
0x3d: {  	_ =	shalt  }
0x3e: {  	_ =	shalt  }
0x3f: {  	_ =	shalt  }
0x40: {  	_ =	shalt  }
0x41: {  	_ =	shalt  }
0x42: {  	_ =	shalt  }
0x43: {  	_ =	shalt  }
0x44: {  	_ =	shalt  }
0x45: {  	_ =	shalt  }
0x46: {  	_ =	shalt  }
0x47: {  	_ =	shalt  }
0x48: {  	_ =	shalt  }
0x49: {  	_ =	shalt  }
0x4a: {  	_ =	shalt  }
0x4b: {  	_ =	shalt  }
0x4c: {  	_ =	shalt  }
0x4d: {  	_ =	shalt  }
0x4e: {  	_ =	shalt  }
0x4f: {  	_ =	shalt  }
0x50: {  	_ =	shalt  }
0x51: {  	_ =	shalt  }
0x52: {  	_ =	shalt  }
0x53: {  	_ =	shalt  }
0x54: {  	_ =	shalt  }
0x55: {  	_ =	shalt  }
0x56: {  	_ =	shalt  }
0x57: {  	_ =	shalt  }
0x58: {  	_ =	shalt  }
0x59: {  	_ =	shalt  }
0x5a: {  	_ =	shalt  }
0x5b: {  	_ =	shalt  }
0x5c: {  	_ =	shalt  }
0x5d: {  	_ =	shalt  }
0x5e: {  	_ =	shalt  }
0x5f: {  	_ =	shalt  }
0x60: {  	_ =	shalt  }
0x61: {  	_ =	shalt  }
0x62: {  	_ =	shalt  }
0x63: {  	_ =	shalt  }
0x64: {  	_ =	shalt  }
0x65: {  	_ =	shalt  }
0x66: {  	_ =	shalt  }
0x67: {  	_ =	shalt  }
0x68: {  	_ =	shalt  }
0x69: {  	_ =	shalt  }
0x6a: {  	_ =	shalt  }
0x6b: {  	_ =	shalt  }
0x6c: {  	_ =	shalt  }
0x6d: {  	_ =	shalt  }
0x6e: {  	_ =	shalt  }
0x6f: {  	_ =	shalt  }
0x70: {  	_ =	shalt  }
0x71: {  	_ =	shalt  }
0x72: {  	_ =	shalt  }
0x73: {  	_ =	shalt  }
0x74: {  	_ =	shalt  }
0x75: {  	_ =	shalt  }
0x76: {  	_ =	shalt  }
0x77: {  	_ =	shalt  }
0x78: {  	_ =	shalt  }
0x79: {  	_ =	shalt  }
0x7a: {  	_ =	shalt  }
0x7b: {  	_ =	shalt  }
0x7c: {  	_ =	shalt  }
0x7d: {  	_ =	shalt  }
0x7e: {  	_ =	shalt  }
0x7f: {  	_ =	shalt  }
0x80: {  	_ =	shalt  }
0x81: {  	_ =	shalt  }
0x82: {  	_ =	shalt  }
0x83: {  	_ =	shalt  }
0x84: {  	_ =	shalt  }
0x85: {  	_ =	shalt  }
0x86: {  	_ =	shalt  }
0x87: {  	_ =	shalt  }
.Lfunc_end0:
.L_simem_size_0:
called_computation.1_lowered:
.L_overlay_start_0:
0x88: {  	s2 =	sld [smem:$0x3FD9]  }
0x89: {  	s3 =	sld [smem:$0x3FFE];
	_ =	sdelay $0x1  }
0x8a: {  	s1 =	srdreg.scid  }
0x8b: {  	s0 =	sand.u32 $0x1, s1  }
0x8c: {  	s17 =	sshll.u32 s0, $0xA;
	s2 =	sadd.s32 s3, s2  }
0x8d: {  	s2 =	sadd.s32 s2, s17  }
0x8e: {  	[smem:$0x3FC2] =	sst s2  }
0x8f: {  	_ = 	snop  }
0x90: {  	s2 =	sld [smem:$0x3FD0];
	(tm) =	ssettm $0x1  }
0x91: {  	s18 =	sld [smem:$0x3FFB];
	_ =	sdelay $0x3  }
0x92: {  	_ =	strace s18  }
0x93: {  	s3 =	sld [smem:$0x3FFC];
	_ =	sdelay $0x3  }
0x94: {  	_ =	strace s3  }
0x95: {  	s3 =	sld [smem:$0x3FFD];
	_ =	sdelay $0x3  }
0x96: {  	_ =	strace s3  }
0x97: {  	_ =	strace $0x8FFFFFFF  }
0x98: {  	s19 =	sld [smem:$0x3FDB];
	_ =	sdelay $0x1  }
0x99: {  	s4 =	simm.s32 $_scs_section_size  }
0x9a: {  	s5 =	simm.s32 $_size__tile_overlayer_lowered;
	s6 =	simm.s32 $_tile_overlayer_lowered  }
0x9b: {  	s22 =	simm.s32 $0x1BFF;
	s21 =	sshll.u32 s6, $0x1;
	s3 =	sadd.s32 s4, s19  }
0x9c: {  	s7 =	simm.s32 $0x0;
	s20 =	sshll.u32 s5, $0x1;
	s5 =	sadd.s32 s21, s3  }
0x9d: {  	[timem:s7], [sflag:s22] =	dma.local [hbm:s5], s20  }
0x9e: {  	_ =	swait.ge [sflag:s22], s20  }
0x9f: {  	s4 =	ssub.s32 $0x0, s20;
	[sflag:s22] =	ssyncset.done $0x0  }
0xa0: {  	[sflag:s22] =	ssyncadd.s32 s4;
	_ =	sdelay $0x1  }
0xa1: {  	s23 =	simm.s32 $0x1B8B  }
0xa2: {  	_ =	swait.ge [sflag:s23], $0x1  }
0xa3: {  	[sflag:s23] =	ssyncset.done $0x0  }
0xa4: {  	s25 =	simm.s32 $0x1B8E;
	s24 =	sld [smem:$0x3FFE];
	[sflag:s23] =	ssyncadd.s32 $0xFFFFFFFF  }
0xa5: {  	s26 =	simm.s32 $execute0_lowered;
	[smem:$0x3FD2] =	sst s25  }
0xa6: {  	s5 =	sshll.u32 s26, $0x1;
	_ =	strace $0x80000049;
	[dreg:$0x1] =	wrdreg $0xFFFFFFFF  }
0xa7: {  	s28 =	simm.s32 $_size_execute0_lowered;
	s3 =	sadd.s32 s3, s5;
	[dreg:$0x0] =	wrdreg $0x0  }
0xa8: {  	s5 =	sshll.u32 s28, $0x1;
	[dreg:$0x2] =	wrdreg s3  }
0xa9: {  	[dreg:$0x3] =	wrdreg s5  }
0xaa: {  	[dreg:$0x4] =	wrdreg $0xC0  }
0xab: {  	_ =	task [dreg:s7], $0x5FFFF  }
0xac: {  	[dreg:$0x1] =	wrdreg $0xFFFFFFFF  }
0xad: {  	[dreg:$0x0] =	wrdreg $0x60  }
0xae: {  	[dreg:$0x2] =	wrdreg s24  }
0xaf: {  	[dreg:$0x3] =	wrdreg s2  }
0xb0: {  	[dreg:$0x4] =	wrdreg $0x50000  }
0xb1: {  	[dreg:$0x5] =	wrdreg $0x0  }
0xb2: {  	[dreg:$0x6] =	wrdreg $0x9  }
0xb3: {  	_ =	task.clear_ibuf [dreg:s7], $0x7FFFF;
	_ =	strace $0x90000049  }
0xb4: {  	s29 =	simm.s32 $0x9;
	_ =	strace $0x8000004B  }
0xb5: {  	_ =	swait.ge [sflag:s29], $0x1  }
0xb6: {  	[sflag:s29] =	ssyncadd.s32 $0xFFFFFFFF  }
0xb7: {  	_ =	strace $0x9000004B  }
0xb8: {  	_ =	sfence  }
0xb9: {  	s30 =	sld [smem:$0x0];
	_ =	sdelay $0x2  }
0xba: {  	s31 =	sshll.u32 s1, $0xD;
	s1 =	sshrl.u32 s1, $0x2  }
0xbb: {  	s3 =	sand.u32 $0x4000, s31;
	s1 =	sadd.s32 s1, s30  }
0xbc: {  	s0 =	sor.u32 s3, s0;
	s1 =	sshll.u32 s1, $0x11  }
0xbd: {  	s0 =	sor.u32 s1, s0  }
0xbe: {  	s0 =	sadd.s32 $0x8F2B, s0  }
0xbf: {  	[sflag:s0] =	ssyncadd.remote.s32 $0x1  }
0xc0: {  	_ =	sfence.sel $0xFFFF  }
0xc1: {  	[dreg:$0x0] =	wrdreg $0xFFFFFFFF;
	(pc) =	sbr.abs _section_cstart, $3  }
0xc2: {  	[dreg:$0x1] =	wrdreg $0xFFFFFFFF  }
0xc3: {  	_ =	task.clear_ibuf [dreg:s7], $0x2FFFF;
	_ =	strace $0x9FFFFFFF  }
0xc4: {  	(tm) =	ssettm $0x7FFFFFFF  }
0xc5: {  	_ =	shalt  }
tec
execute0_lowered:
.L_overlay_start_1:
0x0: {  	(tag) =	ssettag $0x1  }
0x1: {  	s0 =	rddreg [dreg:$0x0]  }
0x2: {  	s1 =	rddreg [dreg:$0x1]  }
0x3: {  	s2 =	rddreg [dreg:$0x2];
	s9 =	stileid.u32  }
0x4: {  	s4 =	srdreg.scid;
	s3 =	rddreg [dreg:$0x3]  }
0x5: {  	s28 =	simm.s32 $0x1E280;
	s29 =	simm.s32 $0x1E3C0;
	s5 =	smul.u32 $0x5000, s9  }
0x6: {  	s30 =	simm.s32 $0x4;
	s31 =	simm.s32 $0x1B800;
	s8 =	smul.u32 $0x280, s9  }
0x7: {  	s6 =	sand.u32 $0x1, s4;
	s4 =	simm.s32 $0x0;
	s12 =	smul.u32 $0x14000, s9  }
0x8: {  	s15 =	sadd.s32 $0x1E00, s0;
	s24 =	smul.u32 $0xA00, s9;
	s9 =	simm.s32 $0x0  }
0x9: {  	s7 =	smul.u32 $0x2800, s6;
	[smem:$0x7FF] =	sst s4;
	s6 =	ssub.s32 $0x2, s6  }
0xa: {  	_ =	strace $0x8000004A;
	s11 =	sshrl.u32 s5, $0x3;
	s18 =	sshrl.u32 s6, $0x1  }
0xb: {  	s13 =	sshrl.u32 s12, $0x2;
	s7 =	sadd.s32 s8, s7;
	s14 =	sadd.s32 s11, s0  }
0xc: {  	s6 =	ssub.s32 s6, s18;
	s8 =	sadd.s32 s5, s3;
	s20 =	sadd.s32 s15, s11  }
0xd: {  	s10 =	sadd.s32 s1, s11;
	s21 =	sor.u32 $0x28, s11;
	s22 =	sadd.s32 s13, s3  }
0xe: {  	s18 =	sadd.s32 s24, s1;
	s7 =	sshll.u32 s7, $0x2;
	s19 =	sadd.s32 $0x15E00, s14  }
0xf: {  	[dreg:$0x7] =	wrdreg s20;
	s11 =	sadd.s32 s15, s21;
	s12 =	sadd.s32 s1, s21  }
0x10: {  	s13 =	sadd.s32 $0x2800, s22;
	s23 =	sadd.s32 $0xBE00, s14;
	[dreg:$0x6] =	wrdreg s19  }
0x11: {  	s25 =	sadd.s32 $0xC300, s14;
	s26 =	smax.u32 s6, $0x1;
	[dreg:$0x8] =	wrdreg s23  }
0x12: {  	s21 =	simm.s32 $0x5;
	s1 =	simm.s32 $0x1;
	[dreg:$0x9] =	wrdreg s25  }
0x13: {  	s22 =	simm.s32 $0x3;
	s0 =	sadd.s32 s7, s0;
	[dreg:$0xb] =	wrdreg s26  }
0x14: {  	s19 =	sadd.s32 s24, s15;
	s23 =	simm.s32 $0x1E000;
	s24 =	simm.s32 $0x1E140  }
0x15: {  	s25 =	simm.s32 $0x140;
	s26 =	simm.s32 $0x19000;
	s7 =	sadd.s32 $0x5BE00, s0  }
0x16: {  	s0 =	sadd.s32 $0x1FE00, s0;
	[dreg:$0x5] =	wrdreg s7;
	s7 =	sadd.s32 s5, s2  }
0x17: {  	[dreg:$0xa] =	wrdreg s0;
	s0 =	simm.s32 $0x2;
	s5 =	simm.s32 $0xA000  }
.LBB2_1:
0x18: {  	[dreg:$0xc] =	wrdreg s9  }
0x19: {  	s6 =	rddreg [dreg:$0x5];
	s17 =	simm.s32 $0xF000  }
0x1a: {  	[tilespmem:s17], [sflag:$0x5] =	stream.linear.gather [hbm4b:s6+s4], $0x5000, $0x38;
	[tilespmem:$0x1E500] =	vst v63  }
0x1b: {  	_ =	swait.ge [sflag:s21], $0x5000  }
0x1c: {  	[sflag:s21] =	ssyncset.done $0x0  }
0x1d: {  	s14 =	simm.s32 $0x14000;
	s20 =	rddreg [dreg:$0x6];
	[sflag:s21] =	ssyncadd.s32 $0xFFFFB000  }
0x1e: {  	[tilespmem:s14], [sflag:$0x5] =	stream.linear.gather [hbm4b:s20+s4], $0x5000, $0x38;
	[tilespmem:$0x1E500] =	vst v63  }
0x1f: {  	_ =	swait.ge [sflag:s21], $0x5000  }
0x20: {  	[sflag:s21] =	ssyncset.done $0x0  }
0x21: {  	[sflag:s21] =	ssyncadd.s32 $0xFFFFB000  }
0x22: {  	[spmem:s7] =	stream.linear.scatter [tilespmem:s17], [sflag:$0x5], $0x5000, $0x38;
	[tilespmem:$0x1E500] =	vst v63  }
0x23: {  	_ =	swait.ge [sflag:s21], $0x5000  }
0x24: {  	[sflag:s21] =	ssyncset.done $0x0  }
0x25: {  	[sflag:s21] =	ssyncadd.s32 $0xFFFFB000  }
0x26: {  	[spmem:s8] =	stream.linear.scatter [tilespmem:s17], [sflag:$0x5], $0x5000, $0x38;
	[tilespmem:$0x1E500] =	vst v63  }
0x27: {  	_ =	swait.ge [sflag:s21], $0x5000  }
0x28: {  	[sflag:s21] =	ssyncset.done $0x0  }
0x29: {  	[sflag:s21] =	ssyncadd.s32 $0xFFFFB000  }
0x2a: {  	s14 =	simm.s32 $0x0;
	[bflag:$0x0] =	sbarrier.arrive $0xFFFF  }
.LBB2_2:
0x2b: {  	s6 =	rddreg [dreg:$0x7]  }
0x2c: {  	[tilespmem:s23], [sflag:$0x5] =	stream.linear.gather [hbm4b:s6+s4], $0x140, $0x38;
	[tilespmem:$0x1E500] =	vst v63  }
0x2d: {  	_ =	swait.ge [sflag:s21], $0x140  }
0x2e: {  	[sflag:s21] =	ssyncset.done $0x0  }
0x2f: {  	[sflag:s21] =	ssyncadd.s32 $0xFFFFFEC0  }
0x30: {  	[tilespmem:s24], [sflag:$0x5] =	stream.linear.gather [hbm4b:s10+s4], $0x140, $0x38;
	[tilespmem:$0x1E500] =	vst v63  }
0x31: {  	_ =	swait.ge [sflag:s21], $0x140  }
0x32: {  	[sflag:s21] =	ssyncset.done $0x0  }
0x33: {  	[sflag:s21] =	ssyncadd.s32 $0xFFFFFEC0  }
0x34: {  	[tilespmem:s26], [sflag:$0x1] =	stream.indirect.gather [spmem:s2], $0x20, s23, s25, $0xb8;
	[tilespmem:$0x1E500] =	vst v63  }
0x35: {  	_ = 	snop  }
0x36: {  	[tilespmem:s28], [sflag:$0x4] =	stream.linear.gather [hbm4b:s11+s4], $0x140, $0x38;
	[tilespmem:$0x1E500] =	vst v63  }
0x37: {  	_ = 	snop  }
0x38: {  	[tilespmem:s29], [sflag:$0x4] =	stream.linear.gather [hbm4b:s12+s4], $0x140, $0x38;
	[tilespmem:$0x1E500] =	vst v63  }
0x39: {  	_ =	swait.ge [sflag:s30], $0x140  }
0x3a: {  	[sflag:s30] =	ssyncset.done $0x0  }
0x3b: {  	[sflag:s30] =	ssyncadd.s32 $0xFFFFFEC0  }
0x3c: {  	_ =	swait.ge [sflag:s30], $0x140  }
0x3d: {  	[sflag:s30] =	ssyncset.done $0x0  }
0x3e: {  	[sflag:s30] =	ssyncadd.s32 $0xFFFFFEC0  }
0x3f: {  	[tilespmem:s31], [sflag:$0x2] =	stream.indirect.gather [spmem:s2], $0x20, s28, s25, $0xb8;
	[tilespmem:$0x1E500] =	vst v63  }
0x40: {  	_ =	swait.ge [sflag:s1], $0x2800  }
0x41: {  	[sflag:s1] =	ssyncset.done $0x0  }
0x42: {  	[sflag:s1] =	ssyncadd.s32 $0xFFFFD800  }
0x43: {  	[spmem:s3] =	stream.indirect.scatter.add.f32 [tilespmem:s26], [sflag:$0x5], $0x20, s24, s25, $0xb8;
	[tilespmem:$0x1E500] =	vst v63  }
0x44: {  	_ =	swait.ge [sflag:s21], $0x2800  }
0x45: {  	s17 =	sadd.s32 $0xFFFFF650, s19;
	[sflag:s21] =	ssyncset.done $0x0  }
0x46: {  	s16 =	sadd.s32 $0xFFFFF650, s18;
	s15 =	sadd.s32 $0xA00, s17;
	[sflag:s21] =	ssyncadd.s32 $0xFFFFD800  }
0x47: {  	[tilespmem:s23], [sflag:$0x3] =	stream.linear.gather [hbm4b:s15+s4], $0x140, $0x38;
	[tilespmem:$0x1E500] =	vst v63  }
0x48: {  	s20 =	sadd.s32 $0xA00, s16  }
0x49: {  	[tilespmem:s24], [sflag:$0x3] =	stream.linear.gather [hbm4b:s20+s4], $0x140, $0x38;
	[tilespmem:$0x1E500] =	vst v63  }
0x4a: {  	_ =	swait.ge [sflag:s0], $0x2800  }
0x4b: {  	[sflag:s0] =	ssyncset.done $0x0  }
0x4c: {  	[sflag:s0] =	ssyncadd.s32 $0xFFFFD800  }
0x4d: {  	[spmem:s3] =	stream.indirect.scatter.add.f32 [tilespmem:s31], [sflag:$0x5], $0x20, s29, s25, $0xb8;
	[tilespmem:$0x1E500] =	vst v63  }
0x4e: {  	_ =	swait.ge [sflag:s21], $0x2800  }
0x4f: {  	[sflag:s21] =	ssyncset.done $0x0  }
0x50: {  	[sflag:s21] =	ssyncadd.s32 $0xFFFFD800  }
0x51: {  	_ =	swait.ge [sflag:s22], $0x140  }
0x52: {  	[sflag:s22] =	ssyncset.done $0x0  }
0x53: {  	[sflag:s22] =	ssyncadd.s32 $0xFFFFFEC0  }
0x54: {  	_ =	swait.ge [sflag:s22], $0x140  }
0x55: {  	[sflag:s22] =	ssyncset.done $0x0  }
0x56: {  	[sflag:s22] =	ssyncadd.s32 $0xFFFFFEC0  }
0x57: {  	[tilespmem:s26], [sflag:$0x1] =	stream.indirect.gather [spmem:s2], $0x20, s23, s25, $0xb8;
	[tilespmem:$0x1E500] =	vst v63  }
0x58: {  	s6 =	sadd.s32 $0xA28, s17  }
0x59: {  	[tilespmem:s28], [sflag:$0x4] =	stream.linear.gather [hbm4b:s6+s4], $0x140, $0x38;
	[tilespmem:$0x1E500] =	vst v63  }
0x5a: {  	s15 =	simm.s32 $0xFFFFF6A0;
	s6 =	sadd.s32 $0xA28, s16  }
.LBB2_3:
0x5b: {  	[tilespmem:s29], [sflag:$0x4] =	stream.linear.gather [hbm4b:s6+s4], $0x140, $0x38;
	[tilespmem:$0x1E500] =	vst v63  }
0x5c: {  	s6 =	smov.u32 s15  }
0x5d: {  	p0 =	sne.s32 s15, $0xFFFFFFB0;
	s15 =	sadd.s32 $0x50, s15;
	_ =	swait.ge [sflag:s30], $0x140  }
0x5e: {  	[sflag:s30] =	ssyncset.done $0x0  }
0x5f: {  	[sflag:s30] =	ssyncadd.s32 $0xFFFFFEC0  }
0x60: {  	_ =	swait.ge [sflag:s30], $0x140  }
0x61: {  	[sflag:s30] =	ssyncset.done $0x0  }
0x62: {  	[sflag:s30] =	ssyncadd.s32 $0xFFFFFEC0  }
0x63: {  	[tilespmem:s31], [sflag:$0x2] =	stream.indirect.gather [spmem:s2], $0x20, s28, s25, $0xb8;
	[tilespmem:$0x1E500] =	vst v63  }
0x64: {  	_ =	swait.ge [sflag:s1], $0x2800  }
0x65: {  	[sflag:s1] =	ssyncset.done $0x0  }
0x66: {  	[sflag:s1] =	ssyncadd.s32 $0xFFFFD800  }
0x67: {  	[spmem:s3] =	stream.indirect.scatter.add.f32 [tilespmem:s26], [sflag:$0x5], $0x20, s24, s25, $0xb8;
	[tilespmem:$0x1E500] =	vst v63  }
0x68: {  	_ =	swait.ge [sflag:s21], $0x2800  }
0x69: {  	s16 =	sadd.s32 s6, s19;
	[sflag:s21] =	ssyncset.done $0x0  }
0x6a: {  	s6 =	sadd.s32 s6, s18;
	s17 =	sadd.s32 $0xA00, s16;
	[sflag:s21] =	ssyncadd.s32 $0xFFFFD800  }
0x6b: {  	[tilespmem:s23], [sflag:$0x3] =	stream.linear.gather [hbm4b:s17+s4], $0x140, $0x38;
	[tilespmem:$0x1E500] =	vst v63  }
0x6c: {  	s17 =	sadd.s32 $0xA00, s6  }
0x6d: {  	[tilespmem:s24], [sflag:$0x3] =	stream.linear.gather [hbm4b:s17+s4], $0x140, $0x38;
	[tilespmem:$0x1E500] =	vst v63  }
0x6e: {  	_ =	swait.ge [sflag:s0], $0x2800  }
0x6f: {  	[sflag:s0] =	ssyncset.done $0x0  }
0x70: {  	[sflag:s0] =	ssyncadd.s32 $0xFFFFD800  }
0x71: {  	[spmem:s3] =	stream.indirect.scatter.add.f32 [tilespmem:s31], [sflag:$0x5], $0x20, s29, s25, $0xb8;
	[tilespmem:$0x1E500] =	vst v63  }
0x72: {  	_ =	swait.ge [sflag:s21], $0x2800  }
0x73: {  	[sflag:s21] =	ssyncset.done $0x0  }
0x74: {  	[sflag:s21] =	ssyncadd.s32 $0xFFFFD800  }
0x75: {  	_ =	swait.ge [sflag:s22], $0x140  }
0x76: {  	[sflag:s22] =	ssyncset.done $0x0  }
0x77: {  	[sflag:s22] =	ssyncadd.s32 $0xFFFFFEC0  }
0x78: {  	_ =	swait.ge [sflag:s22], $0x140  }
0x79: {  	[sflag:s22] =	ssyncset.done $0x0  }
.Ltmp0:
0x7a: {  	[sflag:s22] =	ssyncadd.s32 $0xFFFFFEC0;
	(pc) =	sbr.rel @p0 .LBB2_3-.Ltmp0, $4  }
0x7b: {  	[tilespmem:s26], [sflag:$0x1] =	stream.indirect.gather [spmem:s2], $0x20, s23, s25, $0xb8;
	[tilespmem:$0x1E500] =	vst v63  }
0x7c: {  	s16 =	sadd.s32 $0xA28, s16  }
0x7d: {  	[tilespmem:s28], [sflag:$0x4] =	stream.linear.gather [hbm4b:s16+s4], $0x140, $0x38;
	[tilespmem:$0x1E500] =	vst v63  }
0x7e: {  	s6 =	sadd.s32 $0xA28, s6  }
0x7f: {  	[tilespmem:s29], [sflag:$0x4] =	stream.linear.gather [hbm4b:s6+s4], $0x140, $0x38;
	[tilespmem:$0x1E500] =	vst v63  }
0x80: {  	_ =	swait.ge [sflag:s30], $0x140  }
0x81: {  	[sflag:s30] =	ssyncset.done $0x0  }
0x82: {  	[sflag:s30] =	ssyncadd.s32 $0xFFFFFEC0  }
0x83: {  	_ =	swait.ge [sflag:s30], $0x140  }
0x84: {  	[sflag:s30] =	ssyncset.done $0x0  }
0x85: {  	[sflag:s30] =	ssyncadd.s32 $0xFFFFFEC0  }
0x86: {  	[tilespmem:s31], [sflag:$0x2] =	stream.indirect.gather [spmem:s2], $0x20, s28, s25, $0xb8;
	[tilespmem:$0x1E500] =	vst v63  }
0x87: {  	_ =	swait.ge [sflag:s1], $0x2800  }
0x88: {  	[sflag:s1] =	ssyncset.done $0x0  }
0x89: {  	[sflag:s1] =	ssyncadd.s32 $0xFFFFD800  }
0x8a: {  	[spmem:s3] =	stream.indirect.scatter.add.f32 [tilespmem:s26], [sflag:$0x5], $0x20, s24, s25, $0xb8;
	[tilespmem:$0x1E500] =	vst v63  }
0x8b: {  	_ =	swait.ge [sflag:s21], $0x2800  }
0x8c: {  	[sflag:s21] =	ssyncset.done $0x0  }
0x8d: {  	[sflag:s21] =	ssyncadd.s32 $0xFFFFD800  }
0x8e: {  	_ =	swait.ge [sflag:s0], $0x2800  }
0x8f: {  	[sflag:s0] =	ssyncset.done $0x0  }
0x90: {  	[sflag:s0] =	ssyncadd.s32 $0xFFFFD800  }
0x91: {  	[spmem:s3] =	stream.indirect.scatter.add.f32 [tilespmem:s31], [sflag:$0x5], $0x20, s29, s25, $0xb8;
	[tilespmem:$0x1E500] =	vst v63  }
0x92: {  	_ =	swait.ge [sflag:s21], $0x2800  }
0x93: {  	[sflag:s21] =	ssyncset.done $0x0  }
0x94: {  	[sflag:s21] =	ssyncadd.s32 $0xFFFFD800  }
0x95: {  	[bflag:$0x0] =	sbarrier.arrive $0xFFFF  }
0x96: {  	[tilespmem:s26], [sflag:$0x5] =	stream.linear.gather [spmem:s8], $0x2800, $0x38;
	[tilespmem:$0x1E500] =	vst v63  }
0x97: {  	_ =	swait.ge [sflag:s21], $0x2800  }
0x98: {  	[sflag:s21] =	ssyncset.done $0x0  }
0x99: {  	[sflag:s21] =	ssyncadd.s32 $0xFFFFD800  }
0x9a: {  	[tilespmem:s31], [sflag:$0x5] =	stream.linear.gather [spmem:s13], $0x2800, $0x38;
	[tilespmem:$0x1E500] =	vst v63  }
0x9b: {  	_ =	swait.ge [sflag:s21], $0x2800  }
0x9c: {  	[sflag:s21] =	ssyncset.done $0x0  }
0x9d: {  	s15 =	simm.s32 $0x0;
	[sflag:s21] =	ssyncadd.s32 $0xFFFFD800  }
0x9e: {  	v2 =	vld [tilespmem:s15+$0x19010]  }
0x9f: {  	v3 =	vld [tilespmem:s15+$0x14010]  }
0xa0: {  	v4 =	vld [tilespmem:s15+$0xF010]  }
0xa1: {  	v5 =	vld [tilespmem:s15+$0x19000]  }
0xa2: {  	v6 =	vld [tilespmem:s15+$0x14000]  }
0xa3: {  	s16 =	simm.s32 $0x20;
	v7 =	vld [tilespmem:s15+$0xF000]  }
0xa4: {  	v0 =	vld [tilespmem:s16+$0x19010]  }
0xa5: {  	v1 =	vld [tilespmem:s16+$0x14010];
	v8 =	vmul.f32 v3, v2;
	v4 =	vmul.f32 $1.000000010e-01, v4  }
0xa6: {  	v3 =	vld [tilespmem:s16+$0xF010]  }
0xa7: {  	v2 =	vld [tilespmem:s16+$0x19000];
	v5 =	vmul.f32 v6, v5;
	v6 =	vadd.f32 v4, v8  }
0xa8: {  	s6 =	simm.s32 $0x100;
	s17 =	simm.s32 $0x20;
	s20 =	simm.s32 $0x0;
	v7 =	vmul.f32 $1.000000010e-01, v7;
	v4 =	vld [tilespmem:s16+$0x14000]  }
.LBB2_5:
0xa9: {  	s9 =	sshra.s32 s6, $0x2;
	v8 =	vld [tilespmem:s17+$0xF000];
	[tilespmem:s20+$0xA010] =	vst v6;
	v6 =	vmov v0;
	p0 =	sne.s32 s6, $0x9F80  }
.Ltmp1:
0xaa: {  	v0 =	vld [tilespmem:s9+$0x19010];
	v5 =	vadd.f32 v7, v5;
	(pc) =	sbr.rel @p0 .LBB2_5-.Ltmp1, $4  }
0xab: {  	s6 =	sadd.s32 $0x80, s6;
	v6 =	vmul.f32 v1, v6;
	v1 =	vld [tilespmem:s9+$0x14010];
	v7 =	vmul.f32 $1.000000010e-01, v3  }
0xac: {  	v3 =	vld [tilespmem:s9+$0xF010];
	[tilespmem:s20+$0xA000] =	vst v5;
	s20 =	smov.u32 s17;
	s17 =	smov.u32 s9  }
0xad: {  	v5 =	vmul.f32 v4, v2;
	v2 =	vld [tilespmem:s17+$0x19000];
	v6 =	vadd.f32 v7, v6  }
0xae: {  	v4 =	vld [tilespmem:s17+$0x14000];
	v7 =	vmul.f32 $1.000000010e-01, v8  }
0xaf: {  	v8 =	vld [tilespmem:s17+$0xF000];
	_ =	sdelay $0x3  }
0xb0: {  	v0 =	vmul.f32 v1, v0;
	v1 =	vmul.f32 $1.000000010e-01, v3  }
0xb1: {  	v3 =	vadd.f32 v7, v5;
	v2 =	vmul.f32 v4, v2;
	v4 =	vmul.f32 $1.000000010e-01, v8  }
0xb2: {  	[tilespmem:s20+$0xA010] =	vst v6;
	v0 =	vadd.f32 v1, v0  }
0xb3: {  	[tilespmem:s20+$0xA000] =	vst v3;
	v1 =	vadd.f32 v4, v2  }
0xb4: {  	[tilespmem:s17+$0xA010] =	vst v0  }
0xb5: {  	[tilespmem:s17+$0xA000] =	vst v1  }
0xb6: {  	v2 =	vld [tilespmem:s15+$0x1B810]  }
0xb7: {  	v3 =	vld [tilespmem:s15+$0x16810]  }
0xb8: {  	v4 =	vld [tilespmem:s15+$0x11810]  }
0xb9: {  	v5 =	vld [tilespmem:s15+$0x1B800]  }
0xba: {  	v6 =	vld [tilespmem:s15+$0x16800]  }
0xbb: {  	v7 =	vld [tilespmem:s15+$0x11800]  }
0xbc: {  	v0 =	vld [tilespmem:s16+$0x1B810]  }
0xbd: {  	v1 =	vld [tilespmem:s16+$0x16810];
	v8 =	vmul.f32 v3, v2;
	v4 =	vmul.f32 $1.000000010e-01, v4  }
0xbe: {  	v3 =	vld [tilespmem:s16+$0x11810]  }
0xbf: {  	v2 =	vld [tilespmem:s16+$0x1B800];
	v5 =	vmul.f32 v6, v5;
	v6 =	vadd.f32 v4, v8  }
0xc0: {  	s6 =	simm.s32 $0x100;
	v7 =	vmul.f32 $1.000000010e-01, v7;
	v4 =	vld [tilespmem:s16+$0x16800]  }
.LBB2_7:
0xc1: {  	s9 =	sshra.s32 s6, $0x2;
	v8 =	vld [tilespmem:s16+$0x11800];
	[tilespmem:s15+$0xC810] =	vst v6;
	v6 =	vmov v0;
	p0 =	sne.s32 s6, $0x9F80  }
.Ltmp2:
0xc2: {  	v0 =	vld [tilespmem:s9+$0x1B810];
	v5 =	vadd.f32 v7, v5;
	(pc) =	sbr.rel @p0 .LBB2_7-.Ltmp2, $4  }
0xc3: {  	s6 =	sadd.s32 $0x80, s6;
	v6 =	vmul.f32 v1, v6;
	v1 =	vld [tilespmem:s9+$0x16810];
	v7 =	vmul.f32 $1.000000010e-01, v3  }
0xc4: {  	v3 =	vld [tilespmem:s9+$0x11810];
	[tilespmem:s15+$0xC800] =	vst v5;
	s15 =	smov.u32 s16;
	s16 =	smov.u32 s9  }
0xc5: {  	v5 =	vmul.f32 v4, v2;
	v2 =	vld [tilespmem:s16+$0x1B800];
	v6 =	vadd.f32 v7, v6  }
0xc6: {  	v4 =	vld [tilespmem:s16+$0x16800];
	v7 =	vmul.f32 $1.000000010e-01, v8  }
0xc7: {  	v8 =	vld [tilespmem:s16+$0x11800];
	_ =	sdelay $0x3  }
0xc8: {  	v0 =	vmul.f32 v1, v0;
	v60 =	vmul.f32 $1.000000010e-01, v3  }
0xc9: {  	v61 =	vadd.f32 v7, v5;
	v2 =	vmul.f32 v4, v2;
	v62 =	vmul.f32 $1.000000010e-01, v8  }
0xca: {  	[tilespmem:s15+$0xC810] =	vst v6;
	v0 =	vadd.f32 v60, v0  }
0xcb: {  	[tilespmem:s15+$0xC800] =	vst v61;
	v63 =	vadd.f32 v62, v2  }
0xcc: {  	[tilespmem:s16+$0xC810] =	vst v0  }
0xcd: {  	[tilespmem:s16+$0xC800] =	vst v63  }
0xce: {  	[spmem:s7] =	stream.linear.scatter [tilespmem:s5], [sflag:$0x5], $0x5000, $0x38;
	[tilespmem:$0x1E500] =	vst v63  }
0xcf: {  	_ =	swait.ge [sflag:s21], $0x5000  }
0xd0: {  	s14 =	sadd.s32 $0x1, s14;
	[sflag:s21] =	ssyncset.done $0x0  }
0xd1: {  	p0 =	sne.s32 s14, $0xA;
	[sflag:s21] =	ssyncadd.s32 $0xFFFFB000  }
0xd2: {  	[spmem:s8] =	stream.linear.scatter [tilespmem:s5], [sflag:$0x5], $0x5000, $0x38;
	[tilespmem:$0x1E500] =	vst v63  }
.Ltmp3:
0xd3: {  	_ =	swait.ge [sflag:s21], $0x5000;
	(pc) =	sbr.rel @p0 .LBB2_2-.Ltmp3, $3  }
0xd4: {  	[sflag:s21] =	ssyncset.done $0x0  }
0xd5: {  	[sflag:s21] =	ssyncadd.s32 $0xFFFFB000  }
0xd6: {  	[bflag:$0x0] =	sbarrier.arrive $0xFFFF;
	_ =	sdelay $0x1  }
0xd7: {  	s6 =	simm.s32 $0x0;
	s9 =	rddreg [dreg:$0x8]  }
0xd8: {  	[tilespmem:s26], [sflag:$0x5] =	stream.linear.gather [hbm4b:s9+s6], $0x2800, $0x38;
	[tilespmem:$0x1E500] =	vst v63  }
0xd9: {  	_ =	swait.ge [sflag:s21], $0x2800  }
0xda: {  	[sflag:s21] =	ssyncset.done $0x0  }
0xdb: {  	s20 =	rddreg [dreg:$0x9];
	[sflag:s21] =	ssyncadd.s32 $0xFFFFD800  }
0xdc: {  	[tilespmem:s31], [sflag:$0x5] =	stream.linear.gather [hbm4b:s20+s6], $0x2800, $0x38;
	[tilespmem:$0x1E500] =	vst v63  }
0xdd: {  	_ =	swait.ge [sflag:s21], $0x2800  }
0xde: {  	[sflag:s21] =	ssyncset.done $0x0  }
0xdf: {  	s14 =	simm.s32 $0x0;
	[sflag:s21] =	ssyncadd.s32 $0xFFFFD800  }
0xe0: {  	v0 =	vld [tilespmem:s14+$0x19000]  }
0xe1: {  	v1 =	vld [tilespmem:s14+$0x19010]  }
0xe2: {  	s15 =	simm.s32 $0x80;
	s6 =	simm.s32 $0x0;
	v2 =	vld [tilespmem:s14+$0xA000]  }
.LBB2_10:
0xe3: {  	p0 =	sne.s32 s15, $0x9F80;
	v3 =	vld [tilespmem:s6+$0xA010];
	_ =	sdelay $0x2  }
.Ltmp4:
0xe4: {  	(pc) =	sbr.rel @p0 .LBB2_10-.Ltmp4, $4  }
0xe5: {  	s9 =	sshra.s32 s15, $0x2;
	v2 =	vmul.f32 v0, v2  }
0xe6: {  	v0 =	vld [tilespmem:s9+$0x19000];
	v3 =	vmul.f32 v1, v3  }
0xe7: {  	v1 =	vld [tilespmem:s9+$0x19010];
	[tilespmem:s6+$0xA000] =	vst v2  }
0xe8: {  	s15 =	sadd.s32 $0x80, s15;
	v2 =	vld [tilespmem:s9+$0xA000];
	[tilespmem:s6+$0xA010] =	vst v3;
	s6 =	smov.u32 s9  }
0xe9: {  	v3 =	vld [tilespmem:s6+$0xA010];
	_ =	sdelay $0x3  }
0xea: {  	v0 =	vmul.f32 v0, v2  }
0xeb: {  	v1 =	vmul.f32 v1, v3  }
0xec: {  	[tilespmem:s6+$0xA000] =	vst v0  }
0xed: {  	[tilespmem:s6+$0xA010] =	vst v1  }
0xee: {  	v0 =	vld [tilespmem:s14+$0x1B800]  }
0xef: {  	v1 =	vld [tilespmem:s14+$0x1B810]  }
0xf0: {  	s6 =	simm.s32 $0x80;
	v2 =	vld [tilespmem:s14+$0xC800]  }
.LBB2_12:
0xf1: {  	p0 =	sne.s32 s6, $0x9F80;
	v3 =	vld [tilespmem:s14+$0xC810];
	_ =	sdelay $0x2  }
.Ltmp5:
0xf2: {  	(pc) =	sbr.rel @p0 .LBB2_12-.Ltmp5, $4  }
0xf3: {  	s9 =	sshra.s32 s6, $0x2;
	v2 =	vmul.f32 v0, v2  }
0xf4: {  	v0 =	vld [tilespmem:s9+$0x1B800];
	v3 =	vmul.f32 v1, v3  }
0xf5: {  	v1 =	vld [tilespmem:s9+$0x1B810];
	[tilespmem:s14+$0xC800] =	vst v2  }
0xf6: {  	s6 =	sadd.s32 $0x80, s6;
	v2 =	vld [tilespmem:s9+$0xC800];
	[tilespmem:s14+$0xC810] =	vst v3;
	s14 =	smov.u32 s9  }
0xf7: {  	v3 =	vld [tilespmem:s14+$0xC810];
	_ =	sdelay $0x3  }
0xf8: {  	v0 =	vmul.f32 v0, v2  }
0xf9: {  	v1 =	vmul.f32 v1, v3  }
0xfa: {  	[tilespmem:s14+$0xC800] =	vst v0  }
0xfb: {  	s6 =	rddreg [dreg:$0xa];
	[tilespmem:s14+$0xC810] =	vst v1  }
0xfc: {  	[hbm4b:s6+s4] =	stream.linear.scatter [tilespmem:s5], [sflag:$0x5], $0x5000, $0x38;
	[tilespmem:$0x1E500] =	vst v63  }
0xfd: {  	_ =	swait.ge [sflag:s21], $0x5000  }
0xfe: {  	s9 =	rddreg [dreg:$0xc]  }
0xff: {  	s20 =	rddreg [dreg:$0xb];
	s9 =	sadd.s32 $0x1, s9  }
0x100: {  	p0 =	sne.s32 s9, s20  }
.Ltmp6:
0x101: {  	_ = 	snop;
	(pc) =	sbr.rel @p0 .LBB2_1-.Ltmp6, $3  }
0x102: {  	_ =	sdelay $0x1  }
0x103: {  	[sflag:s21] =	ssyncset.done $0x0  }
0x104: {  	[sflag:s21] =	ssyncadd.s32 $0xFFFFB000  }
0x105: {  	_ =	sfence.sel $0x180000  }
0x106: {  	[bflag:$0x0] =	sbarrier.arrive $0xFFFF  }
0x107: {  	_ =	strace $0x9000004A  }
0x108: {  	s0 =	stileid.u32;
	[bflag:$0x2] =	sbarrier.arrive $0xFFFF  }
0x109: {  	p0 =	sne.s32 s0, $0x0;
	s0 =	rddreg [dreg:$0x4]  }
0x10a: {  	s0 =	sadd.s32 @!p0 $0x100000, s0  }
0x10b: {  	[sflag:s0] =	ssyncadd.tile.s32 @!p0 $0x1;
	_ =	shalt  }
.Lfunc_end2:
_tile_overlayer_lowered:
.L_overlay_start_2:
0x10c: {  	(tag) =	ssettag $0x2  }
0x10d: {  	s0 =	rddreg [dreg:$0x0];
	s2 =	stileid.u32  }
0x10e: {  	s1 =	rddreg [dreg:$0x1];
	p0 =	sne.s32 s2, $0x0  }
0x10f: {  	s3 =	rddreg [dreg:$0x2];
	[bflag:$0x3] =	sbarrier.arrive $0xFFFF;
	s2 =	simm.s32 @!p0 $0x1C05  }
0x110: {  	[timem:s3], [sflag:s2] =	dma.local @!p0 [hbm:s0], s1  }
0x111: {  	s0 =	simm.s32 @!p0 $0x5  }
0x112: {  	_ =	swait.ge @!p0 [sflag:s0], s1  }
0x113: {  	s1 =	ssub.s32 @!p0 $0x0, s1;
	[sflag:s0] =	ssyncset.done @!p0 $0x0  }
0x114: {  	[sflag:s0] =	ssyncadd.s32 @!p0 s1  }
0x115: {  	[bflag:$0x3] =	sbarrier.arrive $0xFFFF  }
0x116: {  	_ =	shalt  }

</sc_bundles>
